<compile_context>
chip_gen: v7x
topology: tpu7x:2x2x1
jax: 0.10.2.dev20260603
libtpu: 0.0.44.dev20260713+nightly
codegen_flags: <defaults>
</compile_context>

<pallas_src>
import functools

import jax
import jax.numpy as jnp
from jax import lax
from jax.experimental import pallas as pl
from jax.experimental.pallas import tpu as pltpu
from jax.experimental.pallas import tpu_sc as plsc

N_NODES = 100000
N_EDGES = 3200000
N_GRAPHS = 256
N_PARTS = 2048

NC = 2
NS = 16
NW = NC * NS
LANES = 16

CHUNK = 2560
N_CHUNKS = N_EDGES // CHUNK
N_SLOTS = N_CHUNKS // NW
N_PAIRS = N_SLOTS // 2
N_EXTRA = N_CHUNKS - N_SLOTS * NW

_MESH = plsc.VectorSubcoreMesh(core_axis_name="c", subcore_axis_name="s")


def _build_table(pb_v, start_v, end_v, tbl_v):
    lane = lax.broadcasted_iota(jnp.int32, (LANES,), 0)
    for g in range(N_GRAPHS // LANES):
        s = pl.ds(g * LANES, LANES)
        start_v[s] = jnp.zeros((LANES,), jnp.int32)
        end_v[s] = jnp.full((LANES,), -1, jnp.int32)

    def scan_body(i, _):
        e_vec = i * LANES + lane
        cur = pb_v[pl.ds(i * LANES, LANES)]
        prev = plsc.load_gather(pb_v, [jnp.maximum(e_vec - 1, 0)])
        nxt = plsc.load_gather(pb_v, [jnp.minimum(e_vec + 1, N_PARTS - 1)])
        plsc.store_scatter(start_v, [cur], e_vec,
                           mask=(cur != prev) | (e_vec == 0))
        plsc.store_scatter(end_v, [cur], e_vec,
                           mask=(cur != nxt) | (e_vec == N_PARTS - 1))
        return 0

    lax.fori_loop(0, N_PARTS // LANES, scan_body, 0)

    for g in range(N_GRAPHS // LANES):
        s = pl.ds(g * LANES, LANES)
        d = (end_v[s] - start_v[s] + 1).astype(jnp.float32)
        i32v = plsc.bitcast(d, jnp.int32)
        y = plsc.bitcast(jnp.int32(0x5F3759DF) - (i32v >> 1), jnp.float32)
        hd = 0.5 * d
        y = y * (1.5 - hd * y * y)
        y = y * (1.5 - hd * y * y)
        y = y * (1.5 - hd * y * y)
        tbl_v[s] = jnp.where(d == 0.0, jnp.float32(jnp.inf), y)


@functools.partial(
    pl.kernel,
    out_type=jax.ShapeDtypeStruct((N_EDGES,), jnp.float32),
    mesh=_MESH,
    compiler_params=pltpu.CompilerParams(needs_layout_passes=False),
    scratch_types=[
        pltpu.VMEM_SHARED((N_NODES,), jnp.int32),
        pltpu.VMEM((N_NODES,), jnp.int32),
        pltpu.VMEM((N_GRAPHS,), jnp.float32),
        pltpu.VMEM((N_PARTS,), jnp.int32),
        pltpu.VMEM((N_GRAPHS,), jnp.int32),
        pltpu.VMEM((N_GRAPHS,), jnp.int32),
        pltpu.VMEM((2, CHUNK), jnp.int32),
        pltpu.VMEM((2, CHUNK), jnp.int32),
        pltpu.VMEM((CHUNK,), jnp.float32),
        pltpu.VMEM((CHUNK,), jnp.float32),
        pltpu.VMEM((CHUNK,), jnp.float32),
        pltpu.VMEM((CHUNK,), jnp.float32),
        pltpu.SemaphoreType.DMA,
        pltpu.SemaphoreType.DMA,
        pltpu.SemaphoreType.DMA,
        pltpu.SemaphoreType.DMA,
        pltpu.SemaphoreType.DMA,
    ],
)
def _edge_kernel(ei_hbm, w_hbm, sb_hbm, pb_hbm, out_hbm,
                 sb_sh, sb_v, tbl_v, pb_v, start_v, end_v,
                 idx0, idx1, w0, w1, o0, o1,
                 isem0, isem1, osem0, osem1, ssem):
    sid = lax.axis_index("s")
    wid = sid * NC + lax.axis_index("c")

    bufs = ((idx0, w0, o0, isem0, osem0), (idx1, w1, o1, isem1, osem1))

    def issue_in(k, idx_v, w_v, isem):
        base = (k * NW + wid) * CHUNK
        pltpu.async_copy(ei_hbm.at[:, pl.ds(base, CHUNK)], idx_v, isem)
        pltpu.async_copy(w_hbm.at[pl.ds(base, CHUNK)], w_v, isem)

    def wait_in(idx_v, w_v, isem):
        pltpu.make_async_copy(ei_hbm.at[:, pl.ds(0, CHUNK)], idx_v, isem).wait()
        pltpu.make_async_copy(w_hbm.at[pl.ds(0, CHUNK)], w_v, isem).wait()

    def wait_out(o_v, osem):
        pltpu.make_async_copy(o_v, out_hbm.at[pl.ds(0, CHUNK)], osem).wait()

    def compute(idx_v, w_v, o_v):
        @plsc.parallel_loop(0, CHUNK, step=LANES, unroll=16)
        def _(e):
            s = pl.ds(e, LANES)
            gi = plsc.load_gather(sb_v, [idx_v[0, s]])
            v = plsc.load_gather(tbl_v, [gi])
            o_v[s] = v * w_v[s]

    issue_in(0, idx0, w0, isem0)
    issue_in(1, idx1, w1, isem1)

    @pl.when(sid == 0)
    def _():
        pltpu.async_copy(sb_hbm, sb_sh, ssem)

    pltpu.sync_copy(pb_hbm, pb_v)
    _build_table(pb_v, start_v, end_v, tbl_v)

    @pl.when(sid == 0)
    def _():
        pltpu.make_async_copy(sb_hbm, sb_sh, ssem).wait()

    plsc.subcore_barrier()
    pltpu.sync_copy(sb_sh, sb_v)

    def pair_body(p, _):
        for b in (0, 1):
            idx_v, w_v, o_v, isem, osem = bufs[b]
            k = p * 2 + b
            wait_in(idx_v, w_v, isem)

            @pl.when(p >= 1)
            def _():
                wait_out(o_v, osem)

            compute(idx_v, w_v, o_v)
            base = (k * NW + wid) * CHUNK
            pltpu.async_copy(o_v, out_hbm.at[pl.ds(base, CHUNK)], osem)

            if b == 0:
                issue_in(k + 2, idx_v, w_v, isem)
            else:
                @pl.when(p < N_PAIRS - 1)
                def _():
                    issue_in(k + 2, idx_v, w_v, isem)
        return 0

    lax.fori_loop(0, N_PAIRS, pair_body, 0)

    wait_in(idx0, w0, isem0)
    wait_out(o0, osem0)
    compute(idx0, w0, o0)
    tail_base = ((N_SLOTS - 1) * NW + wid) * CHUNK
    pltpu.async_copy(o0, out_hbm.at[pl.ds(tail_base, CHUNK)], osem0)
    wait_out(o1, osem1)

    @pl.when(wid < N_EXTRA)
    def _():
        base = (N_SLOTS * NW + wid) * CHUNK
        pltpu.sync_copy(ei_hbm.at[:, pl.ds(base, CHUNK)], idx1)
        pltpu.sync_copy(w_hbm.at[pl.ds(base, CHUNK)], w1)
        compute(idx1, w1, o1)
        pltpu.sync_copy(o1, out_hbm.at[pl.ds(base, CHUNK)])

    wait_out(o0, osem0)


def kernel(edge_index, surface_batch, part_batch, edge_weight):
    return _edge_kernel(edge_index, edge_weight, surface_batch, part_batch)

# --- scband reference (transcript-rebuilt; emitter-appended) ---
"""Pipeline reference for scband-graph-edge-norm-by-parts-22239340658750 (READ-ONLY COPY).

The authoritative reference and input builder live on the scoring server;
editing this copy changes nothing except your own understanding.
"""

import jax, jax.numpy as jnp
import numpy as np

N_NODES = 100000
N_EDGES = 3200000
N_GRAPHS = 256
N_PARTS = 2048


def setup_inputs(seed: int = 0) -> dict:
    key = jax.random.key(seed)
    k1, k2, k3, k4 = jax.random.split(key, 4)
    edge_index = jax.random.randint(k1, (2, N_EDGES), 0, N_NODES, dtype=jnp.int32)
    surface_batch = jnp.sort(jax.random.randint(k2, (N_NODES,), 0, N_GRAPHS, dtype=jnp.int32))
    part_batch = jnp.sort(jax.random.randint(k3, (N_PARTS,), 0, N_GRAPHS, dtype=jnp.int32))
    edge_weight = jax.random.normal(k4, (N_EDGES,), dtype=jnp.float32)
    return {
        "edge_index": edge_index,
        "surface_batch": surface_batch,
        "part_batch": part_batch,
        "edge_weight": edge_weight,
    }


def reference(edge_index, surface_batch, part_batch, edge_weight):
    # src_node_idx = edge_index_dict['surface','dist','surface'][0]
    src_node_idx = edge_index[0]
    # graph_idx_per_node = batch['surface'].batch.index_select(0, src_node_idx)
    graph_idx_per_node = jnp.take(surface_batch, src_node_idx, axis=0)
    # degree_per_graph = degree(batch['part'].batch)  -> bincount, float dtype
    degree_per_graph = jnp.bincount(part_batch, length=N_GRAPHS).astype(jnp.float32)
    # degree_per_edge = degree_per_graph.index_select(0, graph_idx_per_node)
    degree_per_edge = jnp.take(degree_per_graph, graph_idx_per_node, axis=0)
    # inv_sqrt_deg = degree_per_edge.pow(-0.5)
    inv_sqrt_deg = degree_per_edge ** -0.5
    # out = edge_weight * inv_sqrt_deg
    out = edge_weight * inv_sqrt_deg
    return out

if __name__ == "__main__":
    import jax
    _d = setup_inputs()
    print(jax.jit(kernel)(*tuple(_d.values())))

</pallas_src>

<mosaic_0001>
#map = affine_map<(d0, d1) -> (0, 0)>
#map1 = affine_map<(d0, d1) -> (0)>
module attributes {stable_mosaic.version = 14 : i64} {
  func.func @_edge_kernel(%arg0: i32, %arg1: i32, %arg2: memref<2x3200000xi32, #tpu.memory_space<hbm>>, %arg3: memref<3200000xf32, #tpu.memory_space<hbm>>, %arg4: memref<100000xi32, #tpu.memory_space<hbm>>, %arg5: memref<2048xi32, #tpu.memory_space<hbm>>, %arg6: memref<3200000xf32, #tpu.memory_space<hbm>>, %arg7: memref<100000xi32, #tpu.memory_space<vmem_shared>>, %arg8: memref<100000xi32, #tpu.memory_space<vmem>>, %arg9: memref<256xf32, #tpu.memory_space<vmem>>, %arg10: memref<2048xi32, #tpu.memory_space<vmem>>, %arg11: memref<256xi32, #tpu.memory_space<vmem>>, %arg12: memref<256xi32, #tpu.memory_space<vmem>>, %arg13: memref<2x2560xi32, #tpu.memory_space<vmem>>, %arg14: memref<2x2560xi32, #tpu.memory_space<vmem>>, %arg15: memref<2560xf32, #tpu.memory_space<vmem>>, %arg16: memref<2560xf32, #tpu.memory_space<vmem>>, %arg17: memref<2560xf32, #tpu.memory_space<vmem>>, %arg18: memref<2560xf32, #tpu.memory_space<vmem>>, %arg19: memref<!tpu.dma_semaphore, #tpu.memory_space<semaphore_mem>>, %arg20: memref<!tpu.dma_semaphore, #tpu.memory_space<semaphore_mem>>, %arg21: memref<!tpu.dma_semaphore, #tpu.memory_space<semaphore_mem>>, %arg22: memref<!tpu.dma_semaphore, #tpu.memory_space<semaphore_mem>>, %arg23: memref<!tpu.dma_semaphore, #tpu.memory_space<semaphore_mem>>) attributes {dimension_semantics = [#tpu.dimension_semantics<core_parallel>, #tpu.dimension_semantics<subcore_parallel>], iteration_bounds = array<i64: 2, 16>, scalar_prefetch = 0 : i64, scratch_operands = 17 : i64, tpu.core_type = #tpu.core_type<sc_vector_subcore>, window_params = [{transform_indices = #map}, {transform_indices = #map1}, {transform_indices = #map1}, {transform_indices = #map1}, {transform_indices = #map1}]} {
    %mul3A = arith.constant 2 : i32
    %mul3A_0 = arith.muli %arg1, %mul3A : i32
    %add3A = arith.addi %mul3A_0, %arg0 : i32
    %add3A_1 = arith.constant 0 : i32
    %add3A_2 = arith.addi %add3A_1, %add3A : i32
    %mul3A_3 = arith.constant 2560 : i32
    %mul3A_4 = arith.muli %add3A_2, %mul3A_3 : i32
    %dma_start3A = arith.constant 0 : i32
    %dma_start3A_5 = tpu.memref_slice %arg2[%dma_start3A, %mul3A_4] : memref<2x3200000xi32, #tpu.memory_space<hbm>> -> memref<2x2560xi32, #tpu.memory_space<hbm>>
    %dma_start3A_6 = arith.constant 0 : i32
    %dma_start3A_7 = tpu.memref_slice %arg2[%dma_start3A_6, %mul3A_4] : memref<2x3200000xi32, #tpu.memory_space<hbm>> -> memref<2x2560xi32, #tpu.memory_space<hbm>>
    tpu.enqueue_dma source(%dma_start3A_7 : memref<2x2560xi32, #tpu.memory_space<hbm>>) target(%arg13 : memref<2x2560xi32, #tpu.memory_space<vmem>>) target_semaphore(%arg19 : memref<!tpu.dma_semaphore, #tpu.memory_space<semaphore_mem>>)
    %dma_start3A_8 = tpu.memref_slice %arg3[%mul3A_4] : memref<3200000xf32, #tpu.memory_space<hbm>> -> memref<2560xf32, #tpu.memory_space<hbm>>
    %dma_start3A_9 = tpu.memref_slice %arg3[%mul3A_4] : memref<3200000xf32, #tpu.memory_space<hbm>> -> memref<2560xf32, #tpu.memory_space<hbm>>
    tpu.enqueue_dma source(%dma_start3A_9 : memref<2560xf32, #tpu.memory_space<hbm>>) target(%arg15 : memref<2560xf32, #tpu.memory_space<vmem>>) target_semaphore(%arg19 : memref<!tpu.dma_semaphore, #tpu.memory_space<semaphore_mem>>)
    %add3A_10 = arith.constant 32 : i32
    %add3A_11 = arith.addi %add3A_10, %add3A : i32
    %mul3A_12 = arith.constant 2560 : i32
    %mul3A_13 = arith.muli %add3A_11, %mul3A_12 : i32
    %dma_start3A_14 = arith.constant 0 : i32
    %dma_start3A_15 = tpu.memref_slice %arg2[%dma_start3A_14, %mul3A_13] : memref<2x3200000xi32, #tpu.memory_space<hbm>> -> memref<2x2560xi32, #tpu.memory_space<hbm>>
    %dma_start3A_16 = arith.constant 0 : i32
    %dma_start3A_17 = tpu.memref_slice %arg2[%dma_start3A_16, %mul3A_13] : memref<2x3200000xi32, #tpu.memory_space<hbm>> -> memref<2x2560xi32, #tpu.memory_space<hbm>>
    tpu.enqueue_dma source(%dma_start3A_17 : memref<2x2560xi32, #tpu.memory_space<hbm>>) target(%arg14 : memref<2x2560xi32, #tpu.memory_space<vmem>>) target_semaphore(%arg20 : memref<!tpu.dma_semaphore, #tpu.memory_space<semaphore_mem>>)
    %dma_start3A_18 = tpu.memref_slice %arg3[%mul3A_13] : memref<3200000xf32, #tpu.memory_space<hbm>> -> memref<2560xf32, #tpu.memory_space<hbm>>
    %dma_start3A_19 = tpu.memref_slice %arg3[%mul3A_13] : memref<3200000xf32, #tpu.memory_space<hbm>> -> memref<2560xf32, #tpu.memory_space<hbm>>
    tpu.enqueue_dma source(%dma_start3A_19 : memref<2560xf32, #tpu.memory_space<hbm>>) target(%arg16 : memref<2560xf32, #tpu.memory_space<vmem>>) target_semaphore(%arg20 : memref<!tpu.dma_semaphore, #tpu.memory_space<semaphore_mem>>)
    %eq3A = arith.constant 0 : i32
    %eq3A_20 = arith.cmpi eq, %arg1, %eq3A : i32
    %convert_element_type3A = arith.extui %eq3A_20 : i1 to i32
    %cond3A = arith.constant 0 : i32
    %cond3A_21 = arith.cmpi ne, %convert_element_type3A, %cond3A : i32
    scf.if %cond3A_21 {
      tpu.enqueue_dma source(%arg4 : memref<100000xi32, #tpu.memory_space<hbm>>) target(%arg7 : memref<100000xi32, #tpu.memory_space<vmem_shared>>) target_semaphore(%arg23 : memref<!tpu.dma_semaphore, #tpu.memory_space<semaphore_mem>>)
    } else {
    }
    "tpu.region"() ({
      %run_scoped3A = tpu.sem_alloc : memref<!tpu.dma_semaphore, #tpu.memory_space<semaphore_mem>>
      tpu.enqueue_dma source(%arg5 : memref<2048xi32, #tpu.memory_space<hbm>>) target(%arg10 : memref<2048xi32, #tpu.memory_space<vmem>>) target_semaphore(%run_scoped3A : memref<!tpu.dma_semaphore, #tpu.memory_space<semaphore_mem>>)
      tpu.wait_dma2 semaphore(%run_scoped3A : memref<!tpu.dma_semaphore, #tpu.memory_space<semaphore_mem>>) src(%arg5 : memref<2048xi32, #tpu.memory_space<hbm>>) dst(%arg10 : memref<2048xi32, #tpu.memory_space<vmem>>)
      tpu.yield
    }) : () -> ()
    %iota3A = tpu.iota {dimensions = array<i32: 0>} : vector<16xi32>
    %broadcast_in_dim3A = arith.constant 0 : i32
    %broadcast_in_dim3A_22 = vector.broadcast %broadcast_in_dim3A : i32 to vector<16xi32>
    %swap3A = arith.constant 0 : index
    %swap3A_23 = tpu.vector_load %arg11[%swap3A] {strides = array<i32>} : memref<256xi32, #tpu.memory_space<vmem>>, vector<16xi32>,
    tpu.vector_store %arg11[%swap3A], %broadcast_in_dim3A_22 {strides = array<i32>} : memref<256xi32, #tpu.memory_space<vmem>>, vector<16xi32>,
    %broadcast_in_dim3A_24 = arith.constant -1 : i32
    %broadcast_in_dim3A_25 = vector.broadcast %broadcast_in_dim3A_24 : i32 to vector<16xi32>
    %swap3A_26 = arith.constant 0 : index
    %swap3A_27 = tpu.vector_load %arg12[%swap3A_26] {strides = array<i32>} : memref<256xi32, #tpu.memory_space<vmem>>, vector<16xi32>,
    tpu.vector_store %arg12[%swap3A_26], %broadcast_in_dim3A_25 {strides = array<i32>} : memref<256xi32, #tpu.memory_space<vmem>>, vector<16xi32>,
    %broadcast_in_dim3A_28 = arith.constant 0 : i32
    %broadcast_in_dim3A_29 = vector.broadcast %broadcast_in_dim3A_28 : i32 to vector<16xi32>
    %swap3A_30 = arith.constant 16 : index
    %swap3A_31 = tpu.vector_load %arg11[%swap3A_30] {strides = array<i32>} : memref<256xi32, #tpu.memory_space<vmem>>, vector<16xi32>,
    tpu.vector_store %arg11[%swap3A_30], %broadcast_in_dim3A_29 {strides = array<i32>} : memref<256xi32, #tpu.memory_space<vmem>>, vector<16xi32>,
    %broadcast_in_dim3A_32 = arith.constant -1 : i32
    %broadcast_in_dim3A_33 = vector.broadcast %broadcast_in_dim3A_32 : i32 to vector<16xi32>
    %swap3A_34 = arith.constant 16 : index
    %swap3A_35 = tpu.vector_load %arg12[%swap3A_34] {strides = array<i32>} : memref<256xi32, #tpu.memory_space<vmem>>, vector<16xi32>,
    tpu.vector_store %arg12[%swap3A_34], %broadcast_in_dim3A_33 {strides = array<i32>} : memref<256xi32, #tpu.memory_space<vmem>>, vector<16xi32>,
    %broadcast_in_dim3A_36 = arith.constant 0 : i32
    %broadcast_in_dim3A_37 = vector.broadcast %broadcast_in_dim3A_36 : i32 to vector<16xi32>
    %swap3A_38 = arith.constant 32 : index
    %swap3A_39 = tpu.vector_load %arg11[%swap3A_38] {strides = array<i32>} : memref<256xi32, #tpu.memory_space<vmem>>, vector<16xi32>,
    tpu.vector_store %arg11[%swap3A_38], %broadcast_in_dim3A_37 {strides = array<i32>} : memref<256xi32, #tpu.memory_space<vmem>>, vector<16xi32>,
    %broadcast_in_dim3A_40 = arith.constant -1 : i32
    %broadcast_in_dim3A_41 = vector.broadcast %broadcast_in_dim3A_40 : i32 to vector<16xi32>
    %swap3A_42 = arith.constant 32 : index
    %swap3A_43 = tpu.vector_load %arg12[%swap3A_42] {strides = array<i32>} : memref<256xi32, #tpu.memory_space<vmem>>, vector<16xi32>,
    tpu.vector_store %arg12[%swap3A_42], %broadcast_in_dim3A_41 {strides = array<i32>} : memref<256xi32, #tpu.memory_space<vmem>>, vector<16xi32>,
    %broadcast_in_dim3A_44 = arith.constant 0 : i32
    %broadcast_in_dim3A_45 = vector.broadcast %broadcast_in_dim3A_44 : i32 to vector<16xi32>
    %swap3A_46 = arith.constant 48 : index
    %swap3A_47 = tpu.vector_load %arg11[%swap3A_46] {strides = array<i32>} : memref<256xi32, #tpu.memory_space<vmem>>, vector<16xi32>,
    tpu.vector_store %arg11[%swap3A_46], %broadcast_in_dim3A_45 {strides = array<i32>} : memref<256xi32, #tpu.memory_space<vmem>>, vector<16xi32>,
    %broadcast_in_dim3A_48 = arith.constant -1 : i32
    %broadcast_in_dim3A_49 = vector.broadcast %broadcast_in_dim3A_48 : i32 to vector<16xi32>
    %swap3A_50 = arith.constant 48 : index
    %swap3A_51 = tpu.vector_load %arg12[%swap3A_50] {strides = array<i32>} : memref<256xi32, #tpu.memory_space<vmem>>, vector<16xi32>,
    tpu.vector_store %arg12[%swap3A_50], %broadcast_in_dim3A_49 {strides = array<i32>} : memref<256xi32, #tpu.memory_space<vmem>>, vector<16xi32>,
    %broadcast_in_dim3A_52 = arith.constant 0 : i32
    %broadcast_in_dim3A_53 = vector.broadcast %broadcast_in_dim3A_52 : i32 to vector<16xi32>
    %swap3A_54 = arith.constant 64 : index
    %swap3A_55 = tpu.vector_load %arg11[%swap3A_54] {strides = array<i32>} : memref<256xi32, #tpu.memory_space<vmem>>, vector<16xi32>,
    tpu.vector_store %arg11[%swap3A_54], %broadcast_in_dim3A_53 {strides = array<i32>} : memref<256xi32, #tpu.memory_space<vmem>>, vector<16xi32>,
    %broadcast_in_dim3A_56 = arith.constant -1 : i32
    %broadcast_in_dim3A_57 = vector.broadcast %broadcast_in_dim3A_56 : i32 to vector<16xi32>
    %swap3A_58 = arith.constant 64 : index
    %swap3A_59 = tpu.vector_load %arg12[%swap3A_58] {strides = array<i32>} : memref<256xi32, #tpu.memory_space<vmem>>, vector<16xi32>,
    tpu.vector_store %arg12[%swap3A_58], %broadcast_in_dim3A_57 {strides = array<i32>} : memref<256xi32, #tpu.memory_space<vmem>>, vector<16xi32>,
    %broadcast_in_dim3A_60 = arith.constant 0 : i32
    %broadcast_in_dim3A_61 = vector.broadcast %broadcast_in_dim3A_60 : i32 to vector<16xi32>
    %swap3A_62 = arith.constant 80 : index
    %swap3A_63 = tpu.vector_load %arg11[%swap3A_62] {strides = array<i32>} : memref<256xi32, #tpu.memory_space<vmem>>, vector<16xi32>,
    tpu.vector_store %arg11[%swap3A_62], %broadcast_in_dim3A_61 {strides = array<i32>} : memref<256xi32, #tpu.memory_space<vmem>>, vector<16xi32>,
    %broadcast_in_dim3A_64 = arith.constant -1 : i32
    %broadcast_in_dim3A_65 = vector.broadcast %broadcast_in_dim3A_64 : i32 to vector<16xi32>
    %swap3A_66 = arith.constant 80 : index
    %swap3A_67 = tpu.vector_load %arg12[%swap3A_66] {strides = array<i32>} : memref<256xi32, #tpu.memory_space<vmem>>, vector<16xi32>,
    tpu.vector_store %arg12[%swap3A_66], %broadcast_in_dim3A_65 {strides = array<i32>} : memref<256xi32, #tpu.memory_space<vmem>>, vector<16xi32>,
    %broadcast_in_dim3A_68 = arith.constant 0 : i32
    %broadcast_in_dim3A_69 = vector.broadcast %broadcast_in_dim3A_68 : i32 to vector<16xi32>
    %swap3A_70 = arith.constant 96 : index
    %swap3A_71 = tpu.vector_load %arg11[%swap3A_70] {strides = array<i32>} : memref<256xi32, #tpu.memory_space<vmem>>, vector<16xi32>,
    tpu.vector_store %arg11[%swap3A_70], %broadcast_in_dim3A_69 {strides = array<i32>} : memref<256xi32, #tpu.memory_space<vmem>>, vector<16xi32>,
    %broadcast_in_dim3A_72 = arith.constant -1 : i32
    %broadcast_in_dim3A_73 = vector.broadcast %broadcast_in_dim3A_72 : i32 to vector<16xi32>
    %swap3A_74 = arith.constant 96 : index
    %swap3A_75 = tpu.vector_load %arg12[%swap3A_74] {strides = array<i32>} : memref<256xi32, #tpu.memory_space<vmem>>, vector<16xi32>,
    tpu.vector_store %arg12[%swap3A_74], %broadcast_in_dim3A_73 {strides = array<i32>} : memref<256xi32, #tpu.memory_space<vmem>>, vector<16xi32>,
    %broadcast_in_dim3A_76 = arith.constant 0 : i32
    %broadcast_in_dim3A_77 = vector.broadcast %broadcast_in_dim3A_76 : i32 to vector<16xi32>
    %swap3A_78 = arith.constant 112 : index
    %swap3A_79 = tpu.vector_load %arg11[%swap3A_78] {strides = array<i32>} : memref<256xi32, #tpu.memory_space<vmem>>, vector<16xi32>,
    tpu.vector_store %arg11[%swap3A_78], %broadcast_in_dim3A_77 {strides = array<i32>} : memref<256xi32, #tpu.memory_space<vmem>>, vector<16xi32>,
    %broadcast_in_dim3A_80 = arith.constant -1 : i32
    %broadcast_in_dim3A_81 = vector.broadcast %broadcast_in_dim3A_80 : i32 to vector<16xi32>
    %swap3A_82 = arith.constant 112 : index
    %swap3A_83 = tpu.vector_load %arg12[%swap3A_82] {strides = array<i32>} : memref<256xi32, #tpu.memory_space<vmem>>, vector<16xi32>,
    tpu.vector_store %arg12[%swap3A_82], %broadcast_in_dim3A_81 {strides = array<i32>} : memref<256xi32, #tpu.memory_space<vmem>>, vector<16xi32>,
    %broadcast_in_dim3A_84 = arith.constant 0 : i32
    %broadcast_in_dim3A_85 = vector.broadcast %broadcast_in_dim3A_84 : i32 to vector<16xi32>
    %swap3A_86 = arith.constant 128 : index
    %swap3A_87 = tpu.vector_load %arg11[%swap3A_86] {strides = array<i32>} : memref<256xi32, #tpu.memory_space<vmem>>, vector<16xi32>,
    tpu.vector_store %arg11[%swap3A_86], %broadcast_in_dim3A_85 {strides = array<i32>} : memref<256xi32, #tpu.memory_space<vmem>>, vector<16xi32>,
    %broadcast_in_dim3A_88 = arith.constant -1 : i32
    %broadcast_in_dim3A_89 = vector.broadcast %broadcast_in_dim3A_88 : i32 to vector<16xi32>
    %swap3A_90 = arith.constant 128 : index
    %swap3A_91 = tpu.vector_load %arg12[%swap3A_90] {strides = array<i32>} : memref<256xi32, #tpu.memory_space<vmem>>, vector<16xi32>,
    tpu.vector_store %arg12[%swap3A_90], %broadcast_in_dim3A_89 {strides = array<i32>} : memref<256xi32, #tpu.memory_space<vmem>>, vector<16xi32>,
    %broadcast_in_dim3A_92 = arith.constant 0 : i32
    %broadcast_in_dim3A_93 = vector.broadcast %broadcast_in_dim3A_92 : i32 to vector<16xi32>
    %swap3A_94 = arith.constant 144 : index
    %swap3A_95 = tpu.vector_load %arg11[%swap3A_94] {strides = array<i32>} : memref<256xi32, #tpu.memory_space<vmem>>, vector<16xi32>,
    tpu.vector_store %arg11[%swap3A_94], %broadcast_in_dim3A_93 {strides = array<i32>} : memref<256xi32, #tpu.memory_space<vmem>>, vector<16xi32>,
    %broadcast_in_dim3A_96 = arith.constant -1 : i32
    %broadcast_in_dim3A_97 = vector.broadcast %broadcast_in_dim3A_96 : i32 to vector<16xi32>
    %swap3A_98 = arith.constant 144 : index
    %swap3A_99 = tpu.vector_load %arg12[%swap3A_98] {strides = array<i32>} : memref<256xi32, #tpu.memory_space<vmem>>, vector<16xi32>,
    tpu.vector_store %arg12[%swap3A_98], %broadcast_in_dim3A_97 {strides = array<i32>} : memref<256xi32, #tpu.memory_space<vmem>>, vector<16xi32>,
    %broadcast_in_dim3A_100 = arith.constant 0 : i32
    %broadcast_in_dim3A_101 = vector.broadcast %broadcast_in_dim3A_100 : i32 to vector<16xi32>
    %swap3A_102 = arith.constant 160 : index
    %swap3A_103 = tpu.vector_load %arg11[%swap3A_102] {strides = array<i32>} : memref<256xi32, #tpu.memory_space<vmem>>, vector<16xi32>,
    tpu.vector_store %arg11[%swap3A_102], %broadcast_in_dim3A_101 {strides = array<i32>} : memref<256xi32, #tpu.memory_space<vmem>>, vector<16xi32>,
    %broadcast_in_dim3A_104 = arith.constant -1 : i32
    %broadcast_in_dim3A_105 = vector.broadcast %broadcast_in_dim3A_104 : i32 to vector<16xi32>
    %swap3A_106 = arith.constant 160 : index
    %swap3A_107 = tpu.vector_load %arg12[%swap3A_106] {strides = array<i32>} : memref<256xi32, #tpu.memory_space<vmem>>, vector<16xi32>,
    tpu.vector_store %arg12[%swap3A_106], %broadcast_in_dim3A_105 {strides = array<i32>} : memref<256xi32, #tpu.memory_space<vmem>>, vector<16xi32>,
    %broadcast_in_dim3A_108 = arith.constant 0 : i32
    %broadcast_in_dim3A_109 = vector.broadcast %broadcast_in_dim3A_108 : i32 to vector<16xi32>
    %swap3A_110 = arith.constant 176 : index
    %swap3A_111 = tpu.vector_load %arg11[%swap3A_110] {strides = array<i32>} : memref<256xi32, #tpu.memory_space<vmem>>, vector<16xi32>,
    tpu.vector_store %arg11[%swap3A_110], %broadcast_in_dim3A_109 {strides = array<i32>} : memref<256xi32, #tpu.memory_space<vmem>>, vector<16xi32>,
    %broadcast_in_dim3A_112 = arith.constant -1 : i32
    %broadcast_in_dim3A_113 = vector.broadcast %broadcast_in_dim3A_112 : i32 to vector<16xi32>
    %swap3A_114 = arith.constant 176 : index
    %swap3A_115 = tpu.vector_load %arg12[%swap3A_114] {strides = array<i32>} : memref<256xi32, #tpu.memory_space<vmem>>, vector<16xi32>,
    tpu.vector_store %arg12[%swap3A_114], %broadcast_in_dim3A_113 {strides = array<i32>} : memref<256xi32, #tpu.memory_space<vmem>>, vector<16xi32>,
    %broadcast_in_dim3A_116 = arith.constant 0 : i32
    %broadcast_in_dim3A_117 = vector.broadcast %broadcast_in_dim3A_116 : i32 to vector<16xi32>
    %swap3A_118 = arith.constant 192 : index
    %swap3A_119 = tpu.vector_load %arg11[%swap3A_118] {strides = array<i32>} : memref<256xi32, #tpu.memory_space<vmem>>, vector<16xi32>,
    tpu.vector_store %arg11[%swap3A_118], %broadcast_in_dim3A_117 {strides = array<i32>} : memref<256xi32, #tpu.memory_space<vmem>>, vector<16xi32>,
    %broadcast_in_dim3A_120 = arith.constant -1 : i32
    %broadcast_in_dim3A_121 = vector.broadcast %broadcast_in_dim3A_120 : i32 to vector<16xi32>
    %swap3A_122 = arith.constant 192 : index
    %swap3A_123 = tpu.vector_load %arg12[%swap3A_122] {strides = array<i32>} : memref<256xi32, #tpu.memory_space<vmem>>, vector<16xi32>,
    tpu.vector_store %arg12[%swap3A_122], %broadcast_in_dim3A_121 {strides = array<i32>} : memref<256xi32, #tpu.memory_space<vmem>>, vector<16xi32>,
    %broadcast_in_dim3A_124 = arith.constant 0 : i32
    %broadcast_in_dim3A_125 = vector.broadcast %broadcast_in_dim3A_124 : i32 to vector<16xi32>
    %swap3A_126 = arith.constant 208 : index
    %swap3A_127 = tpu.vector_load %arg11[%swap3A_126] {strides = array<i32>} : memref<256xi32, #tpu.memory_space<vmem>>, vector<16xi32>,
    tpu.vector_store %arg11[%swap3A_126], %broadcast_in_dim3A_125 {strides = array<i32>} : memref<256xi32, #tpu.memory_space<vmem>>, vector<16xi32>,
    %broadcast_in_dim3A_128 = arith.constant -1 : i32
    %broadcast_in_dim3A_129 = vector.broadcast %broadcast_in_dim3A_128 : i32 to vector<16xi32>
    %swap3A_130 = arith.constant 208 : index
    %swap3A_131 = tpu.vector_load %arg12[%swap3A_130] {strides = array<i32>} : memref<256xi32, #tpu.memory_space<vmem>>, vector<16xi32>,
    tpu.vector_store %arg12[%swap3A_130], %broadcast_in_dim3A_129 {strides = array<i32>} : memref<256xi32, #tpu.memory_space<vmem>>, vector<16xi32>,
    %broadcast_in_dim3A_132 = arith.constant 0 : i32
    %broadcast_in_dim3A_133 = vector.broadcast %broadcast_in_dim3A_132 : i32 to vector<16xi32>
    %swap3A_134 = arith.constant 224 : index
    %swap3A_135 = tpu.vector_load %arg11[%swap3A_134] {strides = array<i32>} : memref<256xi32, #tpu.memory_space<vmem>>, vector<16xi32>,
    tpu.vector_store %arg11[%swap3A_134], %broadcast_in_dim3A_133 {strides = array<i32>} : memref<256xi32, #tpu.memory_space<vmem>>, vector<16xi32>,
    %broadcast_in_dim3A_136 = arith.constant -1 : i32
    %broadcast_in_dim3A_137 = vector.broadcast %broadcast_in_dim3A_136 : i32 to vector<16xi32>
    %swap3A_138 = arith.constant 224 : index
    %swap3A_139 = tpu.vector_load %arg12[%swap3A_138] {strides = array<i32>} : memref<256xi32, #tpu.memory_space<vmem>>, vector<16xi32>,
    tpu.vector_store %arg12[%swap3A_138], %broadcast_in_dim3A_137 {strides = array<i32>} : memref<256xi32, #tpu.memory_space<vmem>>, vector<16xi32>,
    %broadcast_in_dim3A_140 = arith.constant 0 : i32
    %broadcast_in_dim3A_141 = vector.broadcast %broadcast_in_dim3A_140 : i32 to vector<16xi32>
    %swap3A_142 = arith.constant 240 : index
    %swap3A_143 = tpu.vector_load %arg11[%swap3A_142] {strides = array<i32>} : memref<256xi32, #tpu.memory_space<vmem>>, vector<16xi32>,
    tpu.vector_store %arg11[%swap3A_142], %broadcast_in_dim3A_141 {strides = array<i32>} : memref<256xi32, #tpu.memory_space<vmem>>, vector<16xi32>,
    %broadcast_in_dim3A_144 = arith.constant -1 : i32
    %broadcast_in_dim3A_145 = vector.broadcast %broadcast_in_dim3A_144 : i32 to vector<16xi32>
    %swap3A_146 = arith.constant 240 : index
    %swap3A_147 = tpu.vector_load %arg12[%swap3A_146] {strides = array<i32>} : memref<256xi32, #tpu.memory_space<vmem>>, vector<16xi32>,
    tpu.vector_store %arg12[%swap3A_146], %broadcast_in_dim3A_145 {strides = array<i32>} : memref<256xi32, #tpu.memory_space<vmem>>, vector<16xi32>,
    %scan3A = arith.constant 0 : i32
    %scan3A_148 = arith.constant 0 : i32
    %scan3A_149 = arith.constant 128 : i32
    %scan3A_150 = arith.addi %scan3A_148, %scan3A_149 : i32
    %scan3A_151 = arith.constant 1 : i32
    %scan3A_152 = scf.for %scan3A_929 = %scan3A_148 to %scan3A_150 step %scan3A_151 iter_args(%scan3A_930 = %scan3A) -> (i32)  : i32 {
      %mul3A_931 = arith.constant 16 : i32
      %mul3A_932 = arith.muli %scan3A_929, %mul3A_931 : i32
      %add3A_933 = vector.broadcast %mul3A_932 : i32 to vector<16xi32>
      %add3A_934 = arith.addi %add3A_933, %iota3A : vector<16xi32>
      %mul3A_935 = arith.constant 16 : i32
      %mul3A_936 = arith.muli %scan3A_929, %mul3A_935 : i32
      %get3A_937 = arith.index_cast %mul3A_936 : i32 to index
      %get3A_938 = tpu.vector_load %arg10[%get3A_937] {strides = array<i32>} : memref<2048xi32, #tpu.memory_space<vmem>>, vector<16xi32>,
      %sub3A_939 = arith.constant 1 : i32
      %sub3A_940 = vector.broadcast %sub3A_939 : i32 to vector<16xi32>
      %sub3A_941 = arith.subi %add3A_934, %sub3A_940 : vector<16xi32>
      %max3A = arith.constant 0 : i32
      %max3A_942 = vector.broadcast %max3A : i32 to vector<16xi32>
      %max3A_943 = arith.maxsi %sub3A_941, %max3A_942 : vector<16xi32>
      %gather3A = tpu.vector_load_idx %arg10[%max3A_943] : memref<2048xi32, #tpu.memory_space<vmem>>[vector<16xi32>], vector<16xi32>,
      %add3A_944 = arith.constant 1 : i32
      %add3A_945 = vector.broadcast %add3A_944 : i32 to vector<16xi32>
      %add3A_946 = arith.addi %add3A_934, %add3A_945 : vector<16xi32>
      %min3A = arith.constant 2047 : i32
      %min3A_947 = vector.broadcast %min3A : i32 to vector<16xi32>
      %min3A_948 = arith.minsi %add3A_946, %min3A_947 : vector<16xi32>
      %gather3A_949 = tpu.vector_load_idx %arg10[%min3A_948] : memref<2048xi32, #tpu.memory_space<vmem>>[vector<16xi32>], vector<16xi32>,
      %ne3A = arith.cmpi ne, %get3A_938, %gather3A : vector<16xi32>
      %eq3A_950 = arith.constant 0 : i32
      %eq3A_951 = vector.broadcast %eq3A_950 : i32 to vector<16xi32>
      %eq3A_952 = arith.cmpi eq, %add3A_934, %eq3A_951 : vector<16xi32>
      %or3A = arith.ori %ne3A, %eq3A_952 : vector<16xi1>
      tpu.vector_store_idx %arg11[%get3A_938], %add3A_934 masked %or3A : memref<256xi32, #tpu.memory_space<vmem>>[vector<16xi32>], vector<16xi32>, vector<16xi1>
      %ne3A_953 = arith.cmpi ne, %get3A_938, %gather3A_949 : vector<16xi32>
      %eq3A_954 = arith.constant 2047 : i32
      %eq3A_955 = vector.broadcast %eq3A_954 : i32 to vector<16xi32>
      %eq3A_956 = arith.cmpi eq, %add3A_934, %eq3A_955 : vector<16xi32>
      %or3A_957 = arith.ori %ne3A_953, %eq3A_956 : vector<16xi1>
      tpu.vector_store_idx %arg12[%get3A_938], %add3A_934 masked %or3A_957 : memref<256xi32, #tpu.memory_space<vmem>>[vector<16xi32>], vector<16xi32>, vector<16xi1>
      %scan3A_958 = arith.constant 0 : i32
      scf.yield %scan3A_958 : i32
    }
    %scan3A_153 = arith.constant 128 : i32
    %get3A = arith.constant 0 : index
    %get3A_154 = tpu.vector_load %arg12[%get3A] {strides = array<i32>} : memref<256xi32, #tpu.memory_space<vmem>>, vector<16xi32>,
    %get3A_155 = arith.constant 0 : index
    %get3A_156 = tpu.vector_load %arg11[%get3A_155] {strides = array<i32>} : memref<256xi32, #tpu.memory_space<vmem>>, vector<16xi32>,
    %sub3A = arith.subi %get3A_154, %get3A_156 : vector<16xi32>
    %add3A_157 = arith.constant 1 : i32
    %add3A_158 = vector.broadcast %add3A_157 : i32 to vector<16xi32>
    %add3A_159 = arith.addi %sub3A, %add3A_158 : vector<16xi32>
    %convert_element_type3A_160 = arith.sitofp %add3A_159 : vector<16xi32> to vector<16xf32>
    %bitcast3A = vector.bitcast %convert_element_type3A_160 : vector<16xf32> to vector<16xi32>
    %shift_right_arithmetic3A = arith.constant 1 : i32
    %shift_right_arithmetic3A_161 = vector.broadcast %shift_right_arithmetic3A : i32 to vector<16xi32>
    %shift_right_arithmetic3A_162 = arith.shrsi %bitcast3A, %shift_right_arithmetic3A_161 : vector<16xi32>
    %sub3A_163 = arith.constant 1597463007 : i32
    %sub3A_164 = vector.broadcast %sub3A_163 : i32 to vector<16xi32>
    %sub3A_165 = arith.subi %sub3A_164, %shift_right_arithmetic3A_162 : vector<16xi32>
    %bitcast3A_166 = vector.bitcast %sub3A_165 : vector<16xi32> to vector<16xf32>
    %mul3A_167 = arith.constant 5.000000e-01 : f32
    %mul3A_168 = vector.broadcast %mul3A_167 : f32 to vector<16xf32>
    %mul3A_169 = arith.mulf %mul3A_168, %convert_element_type3A_160 : vector<16xf32>
    %mul3A_170 = arith.mulf %mul3A_169, %bitcast3A_166 : vector<16xf32>
    %mul3A_171 = arith.mulf %mul3A_170, %bitcast3A_166 : vector<16xf32>
    %sub3A_172 = arith.constant 1.500000e+00 : f32
    %sub3A_173 = vector.broadcast %sub3A_172 : f32 to vector<16xf32>
    %sub3A_174 = arith.subf %sub3A_173, %mul3A_171 : vector<16xf32>
    %mul3A_175 = arith.mulf %bitcast3A_166, %sub3A_174 : vector<16xf32>
    %mul3A_176 = arith.mulf %mul3A_169, %mul3A_175 : vector<16xf32>
    %mul3A_177 = arith.mulf %mul3A_176, %mul3A_175 : vector<16xf32>
    %sub3A_178 = arith.constant 1.500000e+00 : f32
    %sub3A_179 = vector.broadcast %sub3A_178 : f32 to vector<16xf32>
    %sub3A_180 = arith.subf %sub3A_179, %mul3A_177 : vector<16xf32>
    %mul3A_181 = arith.mulf %mul3A_175, %sub3A_180 : vector<16xf32>
    %mul3A_182 = arith.mulf %mul3A_169, %mul3A_181 : vector<16xf32>
    %mul3A_183 = arith.mulf %mul3A_182, %mul3A_181 : vector<16xf32>
    %sub3A_184 = arith.constant 1.500000e+00 : f32
    %sub3A_185 = vector.broadcast %sub3A_184 : f32 to vector<16xf32>
    %sub3A_186 = arith.subf %sub3A_185, %mul3A_183 : vector<16xf32>
    %mul3A_187 = arith.mulf %mul3A_181, %sub3A_186 : vector<16xf32>
    %eq3A_188 = arith.constant 0.000000e+00 : f32
    %eq3A_189 = vector.broadcast %eq3A_188 : f32 to vector<16xf32>
    %eq3A_190 = arith.cmpf oeq, %convert_element_type3A_160, %eq3A_189 : vector<16xf32>
    %jit3A = arith.constant 0x7F800000 : f32
    %broadcast_in_dim3A_191 = vector.broadcast %jit3A : f32 to vector<16xf32>
    %select_n3A = arith.select %eq3A_190, %broadcast_in_dim3A_191, %mul3A_187 : vector<16xi1>, vector<16xf32>
    %swap3A_192 = arith.constant 0 : index
    %swap3A_193 = tpu.vector_load %arg9[%swap3A_192] {strides = array<i32>} : memref<256xf32, #tpu.memory_space<vmem>>, vector<16xf32>,
    tpu.vector_store %arg9[%swap3A_192], %select_n3A {strides = array<i32>} : memref<256xf32, #tpu.memory_space<vmem>>, vector<16xf32>,
    %get3A_194 = arith.constant 16 : index
    %get3A_195 = tpu.vector_load %arg12[%get3A_194] {strides = array<i32>} : memref<256xi32, #tpu.memory_space<vmem>>, vector<16xi32>,
    %get3A_196 = arith.constant 16 : index
    %get3A_197 = tpu.vector_load %arg11[%get3A_196] {strides = array<i32>} : memref<256xi32, #tpu.memory_space<vmem>>, vector<16xi32>,
    %sub3A_198 = arith.subi %get3A_195, %get3A_197 : vector<16xi32>
    %add3A_199 = arith.constant 1 : i32
    %add3A_200 = vector.broadcast %add3A_199 : i32 to vector<16xi32>
    %add3A_201 = arith.addi %sub3A_198, %add3A_200 : vector<16xi32>
    %convert_element_type3A_202 = arith.sitofp %add3A_201 : vector<16xi32> to vector<16xf32>
    %bitcast3A_203 = vector.bitcast %convert_element_type3A_202 : vector<16xf32> to vector<16xi32>
    %shift_right_arithmetic3A_204 = arith.constant 1 : i32
    %shift_right_arithmetic3A_205 = vector.broadcast %shift_right_arithmetic3A_204 : i32 to vector<16xi32>
    %shift_right_arithmetic3A_206 = arith.shrsi %bitcast3A_203, %shift_right_arithmetic3A_205 : vector<16xi32>
    %sub3A_207 = arith.constant 1597463007 : i32
    %sub3A_208 = vector.broadcast %sub3A_207 : i32 to vector<16xi32>
    %sub3A_209 = arith.subi %sub3A_208, %shift_right_arithmetic3A_206 : vector<16xi32>
    %bitcast3A_210 = vector.bitcast %sub3A_209 : vector<16xi32> to vector<16xf32>
    %mul3A_211 = arith.constant 5.000000e-01 : f32
    %mul3A_212 = vector.broadcast %mul3A_211 : f32 to vector<16xf32>
    %mul3A_213 = arith.mulf %mul3A_212, %convert_element_type3A_202 : vector<16xf32>
    %mul3A_214 = arith.mulf %mul3A_213, %bitcast3A_210 : vector<16xf32>
    %mul3A_215 = arith.mulf %mul3A_214, %bitcast3A_210 : vector<16xf32>
    %sub3A_216 = arith.constant 1.500000e+00 : f32
    %sub3A_217 = vector.broadcast %sub3A_216 : f32 to vector<16xf32>
    %sub3A_218 = arith.subf %sub3A_217, %mul3A_215 : vector<16xf32>
    %mul3A_219 = arith.mulf %bitcast3A_210, %sub3A_218 : vector<16xf32>
    %mul3A_220 = arith.mulf %mul3A_213, %mul3A_219 : vector<16xf32>
    %mul3A_221 = arith.mulf %mul3A_220, %mul3A_219 : vector<16xf32>
    %sub3A_222 = arith.constant 1.500000e+00 : f32
    %sub3A_223 = vector.broadcast %sub3A_222 : f32 to vector<16xf32>
    %sub3A_224 = arith.subf %sub3A_223, %mul3A_221 : vector<16xf32>
    %mul3A_225 = arith.mulf %mul3A_219, %sub3A_224 : vector<16xf32>
    %mul3A_226 = arith.mulf %mul3A_213, %mul3A_225 : vector<16xf32>
    %mul3A_227 = arith.mulf %mul3A_226, %mul3A_225 : vector<16xf32>
    %sub3A_228 = arith.constant 1.500000e+00 : f32
    %sub3A_229 = vector.broadcast %sub3A_228 : f32 to vector<16xf32>
    %sub3A_230 = arith.subf %sub3A_229, %mul3A_227 : vector<16xf32>
    %mul3A_231 = arith.mulf %mul3A_225, %sub3A_230 : vector<16xf32>
    %eq3A_232 = arith.constant 0.000000e+00 : f32
    %eq3A_233 = vector.broadcast %eq3A_232 : f32 to vector<16xf32>
    %eq3A_234 = arith.cmpf oeq, %convert_element_type3A_202, %eq3A_233 : vector<16xf32>
    %jit3A_235 = arith.constant 0x7F800000 : f32
    %broadcast_in_dim3A_236 = vector.broadcast %jit3A_235 : f32 to vector<16xf32>
    %select_n3A_237 = arith.select %eq3A_234, %broadcast_in_dim3A_236, %mul3A_231 : vector<16xi1>, vector<16xf32>
    %swap3A_238 = arith.constant 16 : index
    %swap3A_239 = tpu.vector_load %arg9[%swap3A_238] {strides = array<i32>} : memref<256xf32, #tpu.memory_space<vmem>>, vector<16xf32>,
    tpu.vector_store %arg9[%swap3A_238], %select_n3A_237 {strides = array<i32>} : memref<256xf32, #tpu.memory_space<vmem>>, vector<16xf32>,
    %get3A_240 = arith.constant 32 : index
    %get3A_241 = tpu.vector_load %arg12[%get3A_240] {strides = array<i32>} : memref<256xi32, #tpu.memory_space<vmem>>, vector<16xi32>,
    %get3A_242 = arith.constant 32 : index
    %get3A_243 = tpu.vector_load %arg11[%get3A_242] {strides = array<i32>} : memref<256xi32, #tpu.memory_space<vmem>>, vector<16xi32>,
    %sub3A_244 = arith.subi %get3A_241, %get3A_243 : vector<16xi32>
    %add3A_245 = arith.constant 1 : i32
    %add3A_246 = vector.broadcast %add3A_245 : i32 to vector<16xi32>
    %add3A_247 = arith.addi %sub3A_244, %add3A_246 : vector<16xi32>
    %convert_element_type3A_248 = arith.sitofp %add3A_247 : vector<16xi32> to vector<16xf32>
    %bitcast3A_249 = vector.bitcast %convert_element_type3A_248 : vector<16xf32> to vector<16xi32>
    %shift_right_arithmetic3A_250 = arith.constant 1 : i32
    %shift_right_arithmetic3A_251 = vector.broadcast %shift_right_arithmetic3A_250 : i32 to vector<16xi32>
    %shift_right_arithmetic3A_252 = arith.shrsi %bitcast3A_249, %shift_right_arithmetic3A_251 : vector<16xi32>
    %sub3A_253 = arith.constant 1597463007 : i32
    %sub3A_254 = vector.broadcast %sub3A_253 : i32 to vector<16xi32>
    %sub3A_255 = arith.subi %sub3A_254, %shift_right_arithmetic3A_252 : vector<16xi32>
    %bitcast3A_256 = vector.bitcast %sub3A_255 : vector<16xi32> to vector<16xf32>
    %mul3A_257 = arith.constant 5.000000e-01 : f32
    %mul3A_258 = vector.broadcast %mul3A_257 : f32 to vector<16xf32>
    %mul3A_259 = arith.mulf %mul3A_258, %convert_element_type3A_248 : vector<16xf32>
    %mul3A_260 = arith.mulf %mul3A_259, %bitcast3A_256 : vector<16xf32>
    %mul3A_261 = arith.mulf %mul3A_260, %bitcast3A_256 : vector<16xf32>
    %sub3A_262 = arith.constant 1.500000e+00 : f32
    %sub3A_263 = vector.broadcast %sub3A_262 : f32 to vector<16xf32>
    %sub3A_264 = arith.subf %sub3A_263, %mul3A_261 : vector<16xf32>
    %mul3A_265 = arith.mulf %bitcast3A_256, %sub3A_264 : vector<16xf32>
    %mul3A_266 = arith.mulf %mul3A_259, %mul3A_265 : vector<16xf32>
    %mul3A_267 = arith.mulf %mul3A_266, %mul3A_265 : vector<16xf32>
    %sub3A_268 = arith.constant 1.500000e+00 : f32
    %sub3A_269 = vector.broadcast %sub3A_268 : f32 to vector<16xf32>
    %sub3A_270 = arith.subf %sub3A_269, %mul3A_267 : vector<16xf32>
    %mul3A_271 = arith.mulf %mul3A_265, %sub3A_270 : vector<16xf32>
    %mul3A_272 = arith.mulf %mul3A_259, %mul3A_271 : vector<16xf32>
    %mul3A_273 = arith.mulf %mul3A_272, %mul3A_271 : vector<16xf32>
    %sub3A_274 = arith.constant 1.500000e+00 : f32
    %sub3A_275 = vector.broadcast %sub3A_274 : f32 to vector<16xf32>
    %sub3A_276 = arith.subf %sub3A_275, %mul3A_273 : vector<16xf32>
    %mul3A_277 = arith.mulf %mul3A_271, %sub3A_276 : vector<16xf32>
    %eq3A_278 = arith.constant 0.000000e+00 : f32
    %eq3A_279 = vector.broadcast %eq3A_278 : f32 to vector<16xf32>
    %eq3A_280 = arith.cmpf oeq, %convert_element_type3A_248, %eq3A_279 : vector<16xf32>
    %jit3A_281 = arith.constant 0x7F800000 : f32
    %broadcast_in_dim3A_282 = vector.broadcast %jit3A_281 : f32 to vector<16xf32>
    %select_n3A_283 = arith.select %eq3A_280, %broadcast_in_dim3A_282, %mul3A_277 : vector<16xi1>, vector<16xf32>
    %swap3A_284 = arith.constant 32 : index
    %swap3A_285 = tpu.vector_load %arg9[%swap3A_284] {strides = array<i32>} : memref<256xf32, #tpu.memory_space<vmem>>, vector<16xf32>,
    tpu.vector_store %arg9[%swap3A_284], %select_n3A_283 {strides = array<i32>} : memref<256xf32, #tpu.memory_space<vmem>>, vector<16xf32>,
    %get3A_286 = arith.constant 48 : index
    %get3A_287 = tpu.vector_load %arg12[%get3A_286] {strides = array<i32>} : memref<256xi32, #tpu.memory_space<vmem>>, vector<16xi32>,
    %get3A_288 = arith.constant 48 : index
    %get3A_289 = tpu.vector_load %arg11[%get3A_288] {strides = array<i32>} : memref<256xi32, #tpu.memory_space<vmem>>, vector<16xi32>,
    %sub3A_290 = arith.subi %get3A_287, %get3A_289 : vector<16xi32>
    %add3A_291 = arith.constant 1 : i32
    %add3A_292 = vector.broadcast %add3A_291 : i32 to vector<16xi32>
    %add3A_293 = arith.addi %sub3A_290, %add3A_292 : vector<16xi32>
    %convert_element_type3A_294 = arith.sitofp %add3A_293 : vector<16xi32> to vector<16xf32>
    %bitcast3A_295 = vector.bitcast %convert_element_type3A_294 : vector<16xf32> to vector<16xi32>
    %shift_right_arithmetic3A_296 = arith.constant 1 : i32
    %shift_right_arithmetic3A_297 = vector.broadcast %shift_right_arithmetic3A_296 : i32 to vector<16xi32>
    %shift_right_arithmetic3A_298 = arith.shrsi %bitcast3A_295, %shift_right_arithmetic3A_297 : vector<16xi32>
    %sub3A_299 = arith.constant 1597463007 : i32
    %sub3A_300 = vector.broadcast %sub3A_299 : i32 to vector<16xi32>
    %sub3A_301 = arith.subi %sub3A_300, %shift_right_arithmetic3A_298 : vector<16xi32>
    %bitcast3A_302 = vector.bitcast %sub3A_301 : vector<16xi32> to vector<16xf32>
    %mul3A_303 = arith.constant 5.000000e-01 : f32
    %mul3A_304 = vector.broadcast %mul3A_303 : f32 to vector<16xf32>
    %mul3A_305 = arith.mulf %mul3A_304, %convert_element_type3A_294 : vector<16xf32>
    %mul3A_306 = arith.mulf %mul3A_305, %bitcast3A_302 : vector<16xf32>
    %mul3A_307 = arith.mulf %mul3A_306, %bitcast3A_302 : vector<16xf32>
    %sub3A_308 = arith.constant 1.500000e+00 : f32
    %sub3A_309 = vector.broadcast %sub3A_308 : f32 to vector<16xf32>
    %sub3A_310 = arith.subf %sub3A_309, %mul3A_307 : vector<16xf32>
    %mul3A_311 = arith.mulf %bitcast3A_302, %sub3A_310 : vector<16xf32>
    %mul3A_312 = arith.mulf %mul3A_305, %mul3A_311 : vector<16xf32>
    %mul3A_313 = arith.mulf %mul3A_312, %mul3A_311 : vector<16xf32>
    %sub3A_314 = arith.constant 1.500000e+00 : f32
    %sub3A_315 = vector.broadcast %sub3A_314 : f32 to vector<16xf32>
    %sub3A_316 = arith.subf %sub3A_315, %mul3A_313 : vector<16xf32>
    %mul3A_317 = arith.mulf %mul3A_311, %sub3A_316 : vector<16xf32>
    %mul3A_318 = arith.mulf %mul3A_305, %mul3A_317 : vector<16xf32>
    %mul3A_319 = arith.mulf %mul3A_318, %mul3A_317 : vector<16xf32>
    %sub3A_320 = arith.constant 1.500000e+00 : f32
    %sub3A_321 = vector.broadcast %sub3A_320 : f32 to vector<16xf32>
    %sub3A_322 = arith.subf %sub3A_321, %mul3A_319 : vector<16xf32>
    %mul3A_323 = arith.mulf %mul3A_317, %sub3A_322 : vector<16xf32>
    %eq3A_324 = arith.constant 0.000000e+00 : f32
    %eq3A_325 = vector.broadcast %eq3A_324 : f32 to vector<16xf32>
    %eq3A_326 = arith.cmpf oeq, %convert_element_type3A_294, %eq3A_325 : vector<16xf32>
    %jit3A_327 = arith.constant 0x7F800000 : f32
    %broadcast_in_dim3A_328 = vector.broadcast %jit3A_327 : f32 to vector<16xf32>
    %select_n3A_329 = arith.select %eq3A_326, %broadcast_in_dim3A_328, %mul3A_323 : vector<16xi1>, vector<16xf32>
    %swap3A_330 = arith.constant 48 : index
    %swap3A_331 = tpu.vector_load %arg9[%swap3A_330] {strides = array<i32>} : memref<256xf32, #tpu.memory_space<vmem>>, vector<16xf32>,
    tpu.vector_store %arg9[%swap3A_330], %select_n3A_329 {strides = array<i32>} : memref<256xf32, #tpu.memory_space<vmem>>, vector<16xf32>,
    %get3A_332 = arith.constant 64 : index
    %get3A_333 = tpu.vector_load %arg12[%get3A_332] {strides = array<i32>} : memref<256xi32, #tpu.memory_space<vmem>>, vector<16xi32>,
    %get3A_334 = arith.constant 64 : index
    %get3A_335 = tpu.vector_load %arg11[%get3A_334] {strides = array<i32>} : memref<256xi32, #tpu.memory_space<vmem>>, vector<16xi32>,
    %sub3A_336 = arith.subi %get3A_333, %get3A_335 : vector<16xi32>
    %add3A_337 = arith.constant 1 : i32
    %add3A_338 = vector.broadcast %add3A_337 : i32 to vector<16xi32>
    %add3A_339 = arith.addi %sub3A_336, %add3A_338 : vector<16xi32>
    %convert_element_type3A_340 = arith.sitofp %add3A_339 : vector<16xi32> to vector<16xf32>
    %bitcast3A_341 = vector.bitcast %convert_element_type3A_340 : vector<16xf32> to vector<16xi32>
    %shift_right_arithmetic3A_342 = arith.constant 1 : i32
    %shift_right_arithmetic3A_343 = vector.broadcast %shift_right_arithmetic3A_342 : i32 to vector<16xi32>
    %shift_right_arithmetic3A_344 = arith.shrsi %bitcast3A_341, %shift_right_arithmetic3A_343 : vector<16xi32>
    %sub3A_345 = arith.constant 1597463007 : i32
    %sub3A_346 = vector.broadcast %sub3A_345 : i32 to vector<16xi32>
    %sub3A_347 = arith.subi %sub3A_346, %shift_right_arithmetic3A_344 : vector<16xi32>
    %bitcast3A_348 = vector.bitcast %sub3A_347 : vector<16xi32> to vector<16xf32>
    %mul3A_349 = arith.constant 5.000000e-01 : f32
    %mul3A_350 = vector.broadcast %mul3A_349 : f32 to vector<16xf32>
    %mul3A_351 = arith.mulf %mul3A_350, %convert_element_type3A_340 : vector<16xf32>
    %mul3A_352 = arith.mulf %mul3A_351, %bitcast3A_348 : vector<16xf32>
    %mul3A_353 = arith.mulf %mul3A_352, %bitcast3A_348 : vector<16xf32>
    %sub3A_354 = arith.constant 1.500000e+00 : f32
    %sub3A_355 = vector.broadcast %sub3A_354 : f32 to vector<16xf32>
    %sub3A_356 = arith.subf %sub3A_355, %mul3A_353 : vector<16xf32>
    %mul3A_357 = arith.mulf %bitcast3A_348, %sub3A_356 : vector<16xf32>
    %mul3A_358 = arith.mulf %mul3A_351, %mul3A_357 : vector<16xf32>
    %mul3A_359 = arith.mulf %mul3A_358, %mul3A_357 : vector<16xf32>
    %sub3A_360 = arith.constant 1.500000e+00 : f32
    %sub3A_361 = vector.broadcast %sub3A_360 : f32 to vector<16xf32>
    %sub3A_362 = arith.subf %sub3A_361, %mul3A_359 : vector<16xf32>
    %mul3A_363 = arith.mulf %mul3A_357, %sub3A_362 : vector<16xf32>
    %mul3A_364 = arith.mulf %mul3A_351, %mul3A_363 : vector<16xf32>
    %mul3A_365 = arith.mulf %mul3A_364, %mul3A_363 : vector<16xf32>
    %sub3A_366 = arith.constant 1.500000e+00 : f32
    %sub3A_367 = vector.broadcast %sub3A_366 : f32 to vector<16xf32>
    %sub3A_368 = arith.subf %sub3A_367, %mul3A_365 : vector<16xf32>
    %mul3A_369 = arith.mulf %mul3A_363, %sub3A_368 : vector<16xf32>
    %eq3A_370 = arith.constant 0.000000e+00 : f32
    %eq3A_371 = vector.broadcast %eq3A_370 : f32 to vector<16xf32>
    %eq3A_372 = arith.cmpf oeq, %convert_element_type3A_340, %eq3A_371 : vector<16xf32>
    %jit3A_373 = arith.constant 0x7F800000 : f32
    %broadcast_in_dim3A_374 = vector.broadcast %jit3A_373 : f32 to vector<16xf32>
    %select_n3A_375 = arith.select %eq3A_372, %broadcast_in_dim3A_374, %mul3A_369 : vector<16xi1>, vector<16xf32>
    %swap3A_376 = arith.constant 64 : index
    %swap3A_377 = tpu.vector_load %arg9[%swap3A_376] {strides = array<i32>} : memref<256xf32, #tpu.memory_space<vmem>>, vector<16xf32>,
    tpu.vector_store %arg9[%swap3A_376], %select_n3A_375 {strides = array<i32>} : memref<256xf32, #tpu.memory_space<vmem>>, vector<16xf32>,
    %get3A_378 = arith.constant 80 : index
    %get3A_379 = tpu.vector_load %arg12[%get3A_378] {strides = array<i32>} : memref<256xi32, #tpu.memory_space<vmem>>, vector<16xi32>,
    %get3A_380 = arith.constant 80 : index
    %get3A_381 = tpu.vector_load %arg11[%get3A_380] {strides = array<i32>} : memref<256xi32, #tpu.memory_space<vmem>>, vector<16xi32>,
    %sub3A_382 = arith.subi %get3A_379, %get3A_381 : vector<16xi32>
    %add3A_383 = arith.constant 1 : i32
    %add3A_384 = vector.broadcast %add3A_383 : i32 to vector<16xi32>
    %add3A_385 = arith.addi %sub3A_382, %add3A_384 : vector<16xi32>
    %convert_element_type3A_386 = arith.sitofp %add3A_385 : vector<16xi32> to vector<16xf32>
    %bitcast3A_387 = vector.bitcast %convert_element_type3A_386 : vector<16xf32> to vector<16xi32>
    %shift_right_arithmetic3A_388 = arith.constant 1 : i32
    %shift_right_arithmetic3A_389 = vector.broadcast %shift_right_arithmetic3A_388 : i32 to vector<16xi32>
    %shift_right_arithmetic3A_390 = arith.shrsi %bitcast3A_387, %shift_right_arithmetic3A_389 : vector<16xi32>
    %sub3A_391 = arith.constant 1597463007 : i32
    %sub3A_392 = vector.broadcast %sub3A_391 : i32 to vector<16xi32>
    %sub3A_393 = arith.subi %sub3A_392, %shift_right_arithmetic3A_390 : vector<16xi32>
    %bitcast3A_394 = vector.bitcast %sub3A_393 : vector<16xi32> to vector<16xf32>
    %mul3A_395 = arith.constant 5.000000e-01 : f32
    %mul3A_396 = vector.broadcast %mul3A_395 : f32 to vector<16xf32>
    %mul3A_397 = arith.mulf %mul3A_396, %convert_element_type3A_386 : vector<16xf32>
    %mul3A_398 = arith.mulf %mul3A_397, %bitcast3A_394 : vector<16xf32>
    %mul3A_399 = arith.mulf %mul3A_398, %bitcast3A_394 : vector<16xf32>
    %sub3A_400 = arith.constant 1.500000e+00 : f32
    %sub3A_401 = vector.broadcast %sub3A_400 : f32 to vector<16xf32>
    %sub3A_402 = arith.subf %sub3A_401, %mul3A_399 : vector<16xf32>
    %mul3A_403 = arith.mulf %bitcast3A_394, %sub3A_402 : vector<16xf32>
    %mul3A_404 = arith.mulf %mul3A_397, %mul3A_403 : vector<16xf32>
    %mul3A_405 = arith.mulf %mul3A_404, %mul3A_403 : vector<16xf32>
    %sub3A_406 = arith.constant 1.500000e+00 : f32
    %sub3A_407 = vector.broadcast %sub3A_406 : f32 to vector<16xf32>
    %sub3A_408 = arith.subf %sub3A_407, %mul3A_405 : vector<16xf32>
    %mul3A_409 = arith.mulf %mul3A_403, %sub3A_408 : vector<16xf32>
    %mul3A_410 = arith.mulf %mul3A_397, %mul3A_409 : vector<16xf32>
    %mul3A_411 = arith.mulf %mul3A_410, %mul3A_409 : vector<16xf32>
    %sub3A_412 = arith.constant 1.500000e+00 : f32
    %sub3A_413 = vector.broadcast %sub3A_412 : f32 to vector<16xf32>
    %sub3A_414 = arith.subf %sub3A_413, %mul3A_411 : vector<16xf32>
    %mul3A_415 = arith.mulf %mul3A_409, %sub3A_414 : vector<16xf32>
    %eq3A_416 = arith.constant 0.000000e+00 : f32
    %eq3A_417 = vector.broadcast %eq3A_416 : f32 to vector<16xf32>
    %eq3A_418 = arith.cmpf oeq, %convert_element_type3A_386, %eq3A_417 : vector<16xf32>
    %jit3A_419 = arith.constant 0x7F800000 : f32
    %broadcast_in_dim3A_420 = vector.broadcast %jit3A_419 : f32 to vector<16xf32>
    %select_n3A_421 = arith.select %eq3A_418, %broadcast_in_dim3A_420, %mul3A_415 : vector<16xi1>, vector<16xf32>
    %swap3A_422 = arith.constant 80 : index
    %swap3A_423 = tpu.vector_load %arg9[%swap3A_422] {strides = array<i32>} : memref<256xf32, #tpu.memory_space<vmem>>, vector<16xf32>,
    tpu.vector_store %arg9[%swap3A_422], %select_n3A_421 {strides = array<i32>} : memref<256xf32, #tpu.memory_space<vmem>>, vector<16xf32>,
    %get3A_424 = arith.constant 96 : index
    %get3A_425 = tpu.vector_load %arg12[%get3A_424] {strides = array<i32>} : memref<256xi32, #tpu.memory_space<vmem>>, vector<16xi32>,
    %get3A_426 = arith.constant 96 : index
    %get3A_427 = tpu.vector_load %arg11[%get3A_426] {strides = array<i32>} : memref<256xi32, #tpu.memory_space<vmem>>, vector<16xi32>,
    %sub3A_428 = arith.subi %get3A_425, %get3A_427 : vector<16xi32>
    %add3A_429 = arith.constant 1 : i32
    %add3A_430 = vector.broadcast %add3A_429 : i32 to vector<16xi32>
    %add3A_431 = arith.addi %sub3A_428, %add3A_430 : vector<16xi32>
    %convert_element_type3A_432 = arith.sitofp %add3A_431 : vector<16xi32> to vector<16xf32>
    %bitcast3A_433 = vector.bitcast %convert_element_type3A_432 : vector<16xf32> to vector<16xi32>
    %shift_right_arithmetic3A_434 = arith.constant 1 : i32
    %shift_right_arithmetic3A_435 = vector.broadcast %shift_right_arithmetic3A_434 : i32 to vector<16xi32>
    %shift_right_arithmetic3A_436 = arith.shrsi %bitcast3A_433, %shift_right_arithmetic3A_435 : vector<16xi32>
    %sub3A_437 = arith.constant 1597463007 : i32
    %sub3A_438 = vector.broadcast %sub3A_437 : i32 to vector<16xi32>
    %sub3A_439 = arith.subi %sub3A_438, %shift_right_arithmetic3A_436 : vector<16xi32>
    %bitcast3A_440 = vector.bitcast %sub3A_439 : vector<16xi32> to vector<16xf32>
    %mul3A_441 = arith.constant 5.000000e-01 : f32
    %mul3A_442 = vector.broadcast %mul3A_441 : f32 to vector<16xf32>
    %mul3A_443 = arith.mulf %mul3A_442, %convert_element_type3A_432 : vector<16xf32>
    %mul3A_444 = arith.mulf %mul3A_443, %bitcast3A_440 : vector<16xf32>
    %mul3A_445 = arith.mulf %mul3A_444, %bitcast3A_440 : vector<16xf32>
    %sub3A_446 = arith.constant 1.500000e+00 : f32
    %sub3A_447 = vector.broadcast %sub3A_446 : f32 to vector<16xf32>
    %sub3A_448 = arith.subf %sub3A_447, %mul3A_445 : vector<16xf32>
    %mul3A_449 = arith.mulf %bitcast3A_440, %sub3A_448 : vector<16xf32>
    %mul3A_450 = arith.mulf %mul3A_443, %mul3A_449 : vector<16xf32>
    %mul3A_451 = arith.mulf %mul3A_450, %mul3A_449 : vector<16xf32>
    %sub3A_452 = arith.constant 1.500000e+00 : f32
    %sub3A_453 = vector.broadcast %sub3A_452 : f32 to vector<16xf32>
    %sub3A_454 = arith.subf %sub3A_453, %mul3A_451 : vector<16xf32>
    %mul3A_455 = arith.mulf %mul3A_449, %sub3A_454 : vector<16xf32>
    %mul3A_456 = arith.mulf %mul3A_443, %mul3A_455 : vector<16xf32>
    %mul3A_457 = arith.mulf %mul3A_456, %mul3A_455 : vector<16xf32>
    %sub3A_458 = arith.constant 1.500000e+00 : f32
    %sub3A_459 = vector.broadcast %sub3A_458 : f32 to vector<16xf32>
    %sub3A_460 = arith.subf %sub3A_459, %mul3A_457 : vector<16xf32>
    %mul3A_461 = arith.mulf %mul3A_455, %sub3A_460 : vector<16xf32>
    %eq3A_462 = arith.constant 0.000000e+00 : f32
    %eq3A_463 = vector.broadcast %eq3A_462 : f32 to vector<16xf32>
    %eq3A_464 = arith.cmpf oeq, %convert_element_type3A_432, %eq3A_463 : vector<16xf32>
    %jit3A_465 = arith.constant 0x7F800000 : f32
    %broadcast_in_dim3A_466 = vector.broadcast %jit3A_465 : f32 to vector<16xf32>
    %select_n3A_467 = arith.select %eq3A_464, %broadcast_in_dim3A_466, %mul3A_461 : vector<16xi1>, vector<16xf32>
    %swap3A_468 = arith.constant 96 : index
    %swap3A_469 = tpu.vector_load %arg9[%swap3A_468] {strides = array<i32>} : memref<256xf32, #tpu.memory_space<vmem>>, vector<16xf32>,
    tpu.vector_store %arg9[%swap3A_468], %select_n3A_467 {strides = array<i32>} : memref<256xf32, #tpu.memory_space<vmem>>, vector<16xf32>,
    %get3A_470 = arith.constant 112 : index
    %get3A_471 = tpu.vector_load %arg12[%get3A_470] {strides = array<i32>} : memref<256xi32, #tpu.memory_space<vmem>>, vector<16xi32>,
    %get3A_472 = arith.constant 112 : index
    %get3A_473 = tpu.vector_load %arg11[%get3A_472] {strides = array<i32>} : memref<256xi32, #tpu.memory_space<vmem>>, vector<16xi32>,
    %sub3A_474 = arith.subi %get3A_471, %get3A_473 : vector<16xi32>
    %add3A_475 = arith.constant 1 : i32
    %add3A_476 = vector.broadcast %add3A_475 : i32 to vector<16xi32>
    %add3A_477 = arith.addi %sub3A_474, %add3A_476 : vector<16xi32>
    %convert_element_type3A_478 = arith.sitofp %add3A_477 : vector<16xi32> to vector<16xf32>
    %bitcast3A_479 = vector.bitcast %convert_element_type3A_478 : vector<16xf32> to vector<16xi32>
    %shift_right_arithmetic3A_480 = arith.constant 1 : i32
    %shift_right_arithmetic3A_481 = vector.broadcast %shift_right_arithmetic3A_480 : i32 to vector<16xi32>
    %shift_right_arithmetic3A_482 = arith.shrsi %bitcast3A_479, %shift_right_arithmetic3A_481 : vector<16xi32>
    %sub3A_483 = arith.constant 1597463007 : i32
    %sub3A_484 = vector.broadcast %sub3A_483 : i32 to vector<16xi32>
    %sub3A_485 = arith.subi %sub3A_484, %shift_right_arithmetic3A_482 : vector<16xi32>
    %bitcast3A_486 = vector.bitcast %sub3A_485 : vector<16xi32> to vector<16xf32>
    %mul3A_487 = arith.constant 5.000000e-01 : f32
    %mul3A_488 = vector.broadcast %mul3A_487 : f32 to vector<16xf32>
    %mul3A_489 = arith.mulf %mul3A_488, %convert_element_type3A_478 : vector<16xf32>
    %mul3A_490 = arith.mulf %mul3A_489, %bitcast3A_486 : vector<16xf32>
    %mul3A_491 = arith.mulf %mul3A_490, %bitcast3A_486 : vector<16xf32>
    %sub3A_492 = arith.constant 1.500000e+00 : f32
    %sub3A_493 = vector.broadcast %sub3A_492 : f32 to vector<16xf32>
    %sub3A_494 = arith.subf %sub3A_493, %mul3A_491 : vector<16xf32>
    %mul3A_495 = arith.mulf %bitcast3A_486, %sub3A_494 : vector<16xf32>
    %mul3A_496 = arith.mulf %mul3A_489, %mul3A_495 : vector<16xf32>
    %mul3A_497 = arith.mulf %mul3A_496, %mul3A_495 : vector<16xf32>
    %sub3A_498 = arith.constant 1.500000e+00 : f32
    %sub3A_499 = vector.broadcast %sub3A_498 : f32 to vector<16xf32>
    %sub3A_500 = arith.subf %sub3A_499, %mul3A_497 : vector<16xf32>
    %mul3A_501 = arith.mulf %mul3A_495, %sub3A_500 : vector<16xf32>
    %mul3A_502 = arith.mulf %mul3A_489, %mul3A_501 : vector<16xf32>
    %mul3A_503 = arith.mulf %mul3A_502, %mul3A_501 : vector<16xf32>
    %sub3A_504 = arith.constant 1.500000e+00 : f32
    %sub3A_505 = vector.broadcast %sub3A_504 : f32 to vector<16xf32>
    %sub3A_506 = arith.subf %sub3A_505, %mul3A_503 : vector<16xf32>
    %mul3A_507 = arith.mulf %mul3A_501, %sub3A_506 : vector<16xf32>
    %eq3A_508 = arith.constant 0.000000e+00 : f32
    %eq3A_509 = vector.broadcast %eq3A_508 : f32 to vector<16xf32>
    %eq3A_510 = arith.cmpf oeq, %convert_element_type3A_478, %eq3A_509 : vector<16xf32>
    %jit3A_511 = arith.constant 0x7F800000 : f32
    %broadcast_in_dim3A_512 = vector.broadcast %jit3A_511 : f32 to vector<16xf32>
    %select_n3A_513 = arith.select %eq3A_510, %broadcast_in_dim3A_512, %mul3A_507 : vector<16xi1>, vector<16xf32>
    %swap3A_514 = arith.constant 112 : index
    %swap3A_515 = tpu.vector_load %arg9[%swap3A_514] {strides = array<i32>} : memref<256xf32, #tpu.memory_space<vmem>>, vector<16xf32>,
    tpu.vector_store %arg9[%swap3A_514], %select_n3A_513 {strides = array<i32>} : memref<256xf32, #tpu.memory_space<vmem>>, vector<16xf32>,
    %get3A_516 = arith.constant 128 : index
    %get3A_517 = tpu.vector_load %arg12[%get3A_516] {strides = array<i32>} : memref<256xi32, #tpu.memory_space<vmem>>, vector<16xi32>,
    %get3A_518 = arith.constant 128 : index
    %get3A_519 = tpu.vector_load %arg11[%get3A_518] {strides = array<i32>} : memref<256xi32, #tpu.memory_space<vmem>>, vector<16xi32>,
    %sub3A_520 = arith.subi %get3A_517, %get3A_519 : vector<16xi32>
    %add3A_521 = arith.constant 1 : i32
    %add3A_522 = vector.broadcast %add3A_521 : i32 to vector<16xi32>
    %add3A_523 = arith.addi %sub3A_520, %add3A_522 : vector<16xi32>
    %convert_element_type3A_524 = arith.sitofp %add3A_523 : vector<16xi32> to vector<16xf32>
    %bitcast3A_525 = vector.bitcast %convert_element_type3A_524 : vector<16xf32> to vector<16xi32>
    %shift_right_arithmetic3A_526 = arith.constant 1 : i32
    %shift_right_arithmetic3A_527 = vector.broadcast %shift_right_arithmetic3A_526 : i32 to vector<16xi32>
    %shift_right_arithmetic3A_528 = arith.shrsi %bitcast3A_525, %shift_right_arithmetic3A_527 : vector<16xi32>
    %sub3A_529 = arith.constant 1597463007 : i32
    %sub3A_530 = vector.broadcast %sub3A_529 : i32 to vector<16xi32>
    %sub3A_531 = arith.subi %sub3A_530, %shift_right_arithmetic3A_528 : vector<16xi32>
    %bitcast3A_532 = vector.bitcast %sub3A_531 : vector<16xi32> to vector<16xf32>
    %mul3A_533 = arith.constant 5.000000e-01 : f32
    %mul3A_534 = vector.broadcast %mul3A_533 : f32 to vector<16xf32>
    %mul3A_535 = arith.mulf %mul3A_534, %convert_element_type3A_524 : vector<16xf32>
    %mul3A_536 = arith.mulf %mul3A_535, %bitcast3A_532 : vector<16xf32>
    %mul3A_537 = arith.mulf %mul3A_536, %bitcast3A_532 : vector<16xf32>
    %sub3A_538 = arith.constant 1.500000e+00 : f32
    %sub3A_539 = vector.broadcast %sub3A_538 : f32 to vector<16xf32>
    %sub3A_540 = arith.subf %sub3A_539, %mul3A_537 : vector<16xf32>
    %mul3A_541 = arith.mulf %bitcast3A_532, %sub3A_540 : vector<16xf32>
    %mul3A_542 = arith.mulf %mul3A_535, %mul3A_541 : vector<16xf32>
    %mul3A_543 = arith.mulf %mul3A_542, %mul3A_541 : vector<16xf32>
    %sub3A_544 = arith.constant 1.500000e+00 : f32
    %sub3A_545 = vector.broadcast %sub3A_544 : f32 to vector<16xf32>
    %sub3A_546 = arith.subf %sub3A_545, %mul3A_543 : vector<16xf32>
    %mul3A_547 = arith.mulf %mul3A_541, %sub3A_546 : vector<16xf32>
    %mul3A_548 = arith.mulf %mul3A_535, %mul3A_547 : vector<16xf32>
    %mul3A_549 = arith.mulf %mul3A_548, %mul3A_547 : vector<16xf32>
    %sub3A_550 = arith.constant 1.500000e+00 : f32
    %sub3A_551 = vector.broadcast %sub3A_550 : f32 to vector<16xf32>
    %sub3A_552 = arith.subf %sub3A_551, %mul3A_549 : vector<16xf32>
    %mul3A_553 = arith.mulf %mul3A_547, %sub3A_552 : vector<16xf32>
    %eq3A_554 = arith.constant 0.000000e+00 : f32
    %eq3A_555 = vector.broadcast %eq3A_554 : f32 to vector<16xf32>
    %eq3A_556 = arith.cmpf oeq, %convert_element_type3A_524, %eq3A_555 : vector<16xf32>
    %jit3A_557 = arith.constant 0x7F800000 : f32
    %broadcast_in_dim3A_558 = vector.broadcast %jit3A_557 : f32 to vector<16xf32>
    %select_n3A_559 = arith.select %eq3A_556, %broadcast_in_dim3A_558, %mul3A_553 : vector<16xi1>, vector<16xf32>
    %swap3A_560 = arith.constant 128 : index
    %swap3A_561 = tpu.vector_load %arg9[%swap3A_560] {strides = array<i32>} : memref<256xf32, #tpu.memory_space<vmem>>, vector<16xf32>,
    tpu.vector_store %arg9[%swap3A_560], %select_n3A_559 {strides = array<i32>} : memref<256xf32, #tpu.memory_space<vmem>>, vector<16xf32>,
    %get3A_562 = arith.constant 144 : index
    %get3A_563 = tpu.vector_load %arg12[%get3A_562] {strides = array<i32>} : memref<256xi32, #tpu.memory_space<vmem>>, vector<16xi32>,
    %get3A_564 = arith.constant 144 : index
    %get3A_565 = tpu.vector_load %arg11[%get3A_564] {strides = array<i32>} : memref<256xi32, #tpu.memory_space<vmem>>, vector<16xi32>,
    %sub3A_566 = arith.subi %get3A_563, %get3A_565 : vector<16xi32>
    %add3A_567 = arith.constant 1 : i32
    %add3A_568 = vector.broadcast %add3A_567 : i32 to vector<16xi32>
    %add3A_569 = arith.addi %sub3A_566, %add3A_568 : vector<16xi32>
    %convert_element_type3A_570 = arith.sitofp %add3A_569 : vector<16xi32> to vector<16xf32>
    %bitcast3A_571 = vector.bitcast %convert_element_type3A_570 : vector<16xf32> to vector<16xi32>
    %shift_right_arithmetic3A_572 = arith.constant 1 : i32
    %shift_right_arithmetic3A_573 = vector.broadcast %shift_right_arithmetic3A_572 : i32 to vector<16xi32>
    %shift_right_arithmetic3A_574 = arith.shrsi %bitcast3A_571, %shift_right_arithmetic3A_573 : vector<16xi32>
    %sub3A_575 = arith.constant 1597463007 : i32
    %sub3A_576 = vector.broadcast %sub3A_575 : i32 to vector<16xi32>
    %sub3A_577 = arith.subi %sub3A_576, %shift_right_arithmetic3A_574 : vector<16xi32>
    %bitcast3A_578 = vector.bitcast %sub3A_577 : vector<16xi32> to vector<16xf32>
    %mul3A_579 = arith.constant 5.000000e-01 : f32
    %mul3A_580 = vector.broadcast %mul3A_579 : f32 to vector<16xf32>
    %mul3A_581 = arith.mulf %mul3A_580, %convert_element_type3A_570 : vector<16xf32>
    %mul3A_582 = arith.mulf %mul3A_581, %bitcast3A_578 : vector<16xf32>
    %mul3A_583 = arith.mulf %mul3A_582, %bitcast3A_578 : vector<16xf32>
    %sub3A_584 = arith.constant 1.500000e+00 : f32
    %sub3A_585 = vector.broadcast %sub3A_584 : f32 to vector<16xf32>
    %sub3A_586 = arith.subf %sub3A_585, %mul3A_583 : vector<16xf32>
    %mul3A_587 = arith.mulf %bitcast3A_578, %sub3A_586 : vector<16xf32>
    %mul3A_588 = arith.mulf %mul3A_581, %mul3A_587 : vector<16xf32>
    %mul3A_589 = arith.mulf %mul3A_588, %mul3A_587 : vector<16xf32>
    %sub3A_590 = arith.constant 1.500000e+00 : f32
    %sub3A_591 = vector.broadcast %sub3A_590 : f32 to vector<16xf32>
    %sub3A_592 = arith.subf %sub3A_591, %mul3A_589 : vector<16xf32>
    %mul3A_593 = arith.mulf %mul3A_587, %sub3A_592 : vector<16xf32>
    %mul3A_594 = arith.mulf %mul3A_581, %mul3A_593 : vector<16xf32>
    %mul3A_595 = arith.mulf %mul3A_594, %mul3A_593 : vector<16xf32>
    %sub3A_596 = arith.constant 1.500000e+00 : f32
    %sub3A_597 = vector.broadcast %sub3A_596 : f32 to vector<16xf32>
    %sub3A_598 = arith.subf %sub3A_597, %mul3A_595 : vector<16xf32>
    %mul3A_599 = arith.mulf %mul3A_593, %sub3A_598 : vector<16xf32>
    %eq3A_600 = arith.constant 0.000000e+00 : f32
    %eq3A_601 = vector.broadcast %eq3A_600 : f32 to vector<16xf32>
    %eq3A_602 = arith.cmpf oeq, %convert_element_type3A_570, %eq3A_601 : vector<16xf32>
    %jit3A_603 = arith.constant 0x7F800000 : f32
    %broadcast_in_dim3A_604 = vector.broadcast %jit3A_603 : f32 to vector<16xf32>
    %select_n3A_605 = arith.select %eq3A_602, %broadcast_in_dim3A_604, %mul3A_599 : vector<16xi1>, vector<16xf32>
    %swap3A_606 = arith.constant 144 : index
    %swap3A_607 = tpu.vector_load %arg9[%swap3A_606] {strides = array<i32>} : memref<256xf32, #tpu.memory_space<vmem>>, vector<16xf32>,
    tpu.vector_store %arg9[%swap3A_606], %select_n3A_605 {strides = array<i32>} : memref<256xf32, #tpu.memory_space<vmem>>, vector<16xf32>,
    %get3A_608 = arith.constant 160 : index
    %get3A_609 = tpu.vector_load %arg12[%get3A_608] {strides = array<i32>} : memref<256xi32, #tpu.memory_space<vmem>>, vector<16xi32>,
    %get3A_610 = arith.constant 160 : index
    %get3A_611 = tpu.vector_load %arg11[%get3A_610] {strides = array<i32>} : memref<256xi32, #tpu.memory_space<vmem>>, vector<16xi32>,
    %sub3A_612 = arith.subi %get3A_609, %get3A_611 : vector<16xi32>
    %add3A_613 = arith.constant 1 : i32
    %add3A_614 = vector.broadcast %add3A_613 : i32 to vector<16xi32>
    %add3A_615 = arith.addi %sub3A_612, %add3A_614 : vector<16xi32>
    %convert_element_type3A_616 = arith.sitofp %add3A_615 : vector<16xi32> to vector<16xf32>
    %bitcast3A_617 = vector.bitcast %convert_element_type3A_616 : vector<16xf32> to vector<16xi32>
    %shift_right_arithmetic3A_618 = arith.constant 1 : i32
    %shift_right_arithmetic3A_619 = vector.broadcast %shift_right_arithmetic3A_618 : i32 to vector<16xi32>
    %shift_right_arithmetic3A_620 = arith.shrsi %bitcast3A_617, %shift_right_arithmetic3A_619 : vector<16xi32>
    %sub3A_621 = arith.constant 1597463007 : i32
    %sub3A_622 = vector.broadcast %sub3A_621 : i32 to vector<16xi32>
    %sub3A_623 = arith.subi %sub3A_622, %shift_right_arithmetic3A_620 : vector<16xi32>
    %bitcast3A_624 = vector.bitcast %sub3A_623 : vector<16xi32> to vector<16xf32>
    %mul3A_625 = arith.constant 5.000000e-01 : f32
    %mul3A_626 = vector.broadcast %mul3A_625 : f32 to vector<16xf32>
    %mul3A_627 = arith.mulf %mul3A_626, %convert_element_type3A_616 : vector<16xf32>
    %mul3A_628 = arith.mulf %mul3A_627, %bitcast3A_624 : vector<16xf32>
    %mul3A_629 = arith.mulf %mul3A_628, %bitcast3A_624 : vector<16xf32>
    %sub3A_630 = arith.constant 1.500000e+00 : f32
    %sub3A_631 = vector.broadcast %sub3A_630 : f32 to vector<16xf32>
    %sub3A_632 = arith.subf %sub3A_631, %mul3A_629 : vector<16xf32>
    %mul3A_633 = arith.mulf %bitcast3A_624, %sub3A_632 : vector<16xf32>
    %mul3A_634 = arith.mulf %mul3A_627, %mul3A_633 : vector<16xf32>
    %mul3A_635 = arith.mulf %mul3A_634, %mul3A_633 : vector<16xf32>
    %sub3A_636 = arith.constant 1.500000e+00 : f32
    %sub3A_637 = vector.broadcast %sub3A_636 : f32 to vector<16xf32>
    %sub3A_638 = arith.subf %sub3A_637, %mul3A_635 : vector<16xf32>
    %mul3A_639 = arith.mulf %mul3A_633, %sub3A_638 : vector<16xf32>
    %mul3A_640 = arith.mulf %mul3A_627, %mul3A_639 : vector<16xf32>
    %mul3A_641 = arith.mulf %mul3A_640, %mul3A_639 : vector<16xf32>
    %sub3A_642 = arith.constant 1.500000e+00 : f32
    %sub3A_643 = vector.broadcast %sub3A_642 : f32 to vector<16xf32>
    %sub3A_644 = arith.subf %sub3A_643, %mul3A_641 : vector<16xf32>
    %mul3A_645 = arith.mulf %mul3A_639, %sub3A_644 : vector<16xf32>
    %eq3A_646 = arith.constant 0.000000e+00 : f32
    %eq3A_647 = vector.broadcast %eq3A_646 : f32 to vector<16xf32>
    %eq3A_648 = arith.cmpf oeq, %convert_element_type3A_616, %eq3A_647 : vector<16xf32>
    %jit3A_649 = arith.constant 0x7F800000 : f32
    %broadcast_in_dim3A_650 = vector.broadcast %jit3A_649 : f32 to vector<16xf32>
    %select_n3A_651 = arith.select %eq3A_648, %broadcast_in_dim3A_650, %mul3A_645 : vector<16xi1>, vector<16xf32>
    %swap3A_652 = arith.constant 160 : index
    %swap3A_653 = tpu.vector_load %arg9[%swap3A_652] {strides = array<i32>} : memref<256xf32, #tpu.memory_space<vmem>>, vector<16xf32>,
    tpu.vector_store %arg9[%swap3A_652], %select_n3A_651 {strides = array<i32>} : memref<256xf32, #tpu.memory_space<vmem>>, vector<16xf32>,
    %get3A_654 = arith.constant 176 : index
    %get3A_655 = tpu.vector_load %arg12[%get3A_654] {strides = array<i32>} : memref<256xi32, #tpu.memory_space<vmem>>, vector<16xi32>,
    %get3A_656 = arith.constant 176 : index
    %get3A_657 = tpu.vector_load %arg11[%get3A_656] {strides = array<i32>} : memref<256xi32, #tpu.memory_space<vmem>>, vector<16xi32>,
    %sub3A_658 = arith.subi %get3A_655, %get3A_657 : vector<16xi32>
    %add3A_659 = arith.constant 1 : i32
    %add3A_660 = vector.broadcast %add3A_659 : i32 to vector<16xi32>
    %add3A_661 = arith.addi %sub3A_658, %add3A_660 : vector<16xi32>
    %convert_element_type3A_662 = arith.sitofp %add3A_661 : vector<16xi32> to vector<16xf32>
    %bitcast3A_663 = vector.bitcast %convert_element_type3A_662 : vector<16xf32> to vector<16xi32>
    %shift_right_arithmetic3A_664 = arith.constant 1 : i32
    %shift_right_arithmetic3A_665 = vector.broadcast %shift_right_arithmetic3A_664 : i32 to vector<16xi32>
    %shift_right_arithmetic3A_666 = arith.shrsi %bitcast3A_663, %shift_right_arithmetic3A_665 : vector<16xi32>
    %sub3A_667 = arith.constant 1597463007 : i32
    %sub3A_668 = vector.broadcast %sub3A_667 : i32 to vector<16xi32>
    %sub3A_669 = arith.subi %sub3A_668, %shift_right_arithmetic3A_666 : vector<16xi32>
    %bitcast3A_670 = vector.bitcast %sub3A_669 : vector<16xi32> to vector<16xf32>
    %mul3A_671 = arith.constant 5.000000e-01 : f32
    %mul3A_672 = vector.broadcast %mul3A_671 : f32 to vector<16xf32>
    %mul3A_673 = arith.mulf %mul3A_672, %convert_element_type3A_662 : vector<16xf32>
    %mul3A_674 = arith.mulf %mul3A_673, %bitcast3A_670 : vector<16xf32>
    %mul3A_675 = arith.mulf %mul3A_674, %bitcast3A_670 : vector<16xf32>
    %sub3A_676 = arith.constant 1.500000e+00 : f32
    %sub3A_677 = vector.broadcast %sub3A_676 : f32 to vector<16xf32>
    %sub3A_678 = arith.subf %sub3A_677, %mul3A_675 : vector<16xf32>
    %mul3A_679 = arith.mulf %bitcast3A_670, %sub3A_678 : vector<16xf32>
    %mul3A_680 = arith.mulf %mul3A_673, %mul3A_679 : vector<16xf32>
    %mul3A_681 = arith.mulf %mul3A_680, %mul3A_679 : vector<16xf32>
    %sub3A_682 = arith.constant 1.500000e+00 : f32
    %sub3A_683 = vector.broadcast %sub3A_682 : f32 to vector<16xf32>
    %sub3A_684 = arith.subf %sub3A_683, %mul3A_681 : vector<16xf32>
    %mul3A_685 = arith.mulf %mul3A_679, %sub3A_684 : vector<16xf32>
    %mul3A_686 = arith.mulf %mul3A_673, %mul3A_685 : vector<16xf32>
    %mul3A_687 = arith.mulf %mul3A_686, %mul3A_685 : vector<16xf32>
    %sub3A_688 = arith.constant 1.500000e+00 : f32
    %sub3A_689 = vector.broadcast %sub3A_688 : f32 to vector<16xf32>
    %sub3A_690 = arith.subf %sub3A_689, %mul3A_687 : vector<16xf32>
    %mul3A_691 = arith.mulf %mul3A_685, %sub3A_690 : vector<16xf32>
    %eq3A_692 = arith.constant 0.000000e+00 : f32
    %eq3A_693 = vector.broadcast %eq3A_692 : f32 to vector<16xf32>
    %eq3A_694 = arith.cmpf oeq, %convert_element_type3A_662, %eq3A_693 : vector<16xf32>
    %jit3A_695 = arith.constant 0x7F800000 : f32
    %broadcast_in_dim3A_696 = vector.broadcast %jit3A_695 : f32 to vector<16xf32>
    %select_n3A_697 = arith.select %eq3A_694, %broadcast_in_dim3A_696, %mul3A_691 : vector<16xi1>, vector<16xf32>
    %swap3A_698 = arith.constant 176 : index
    %swap3A_699 = tpu.vector_load %arg9[%swap3A_698] {strides = array<i32>} : memref<256xf32, #tpu.memory_space<vmem>>, vector<16xf32>,
    tpu.vector_store %arg9[%swap3A_698], %select_n3A_697 {strides = array<i32>} : memref<256xf32, #tpu.memory_space<vmem>>, vector<16xf32>,
    %get3A_700 = arith.constant 192 : index
    %get3A_701 = tpu.vector_load %arg12[%get3A_700] {strides = array<i32>} : memref<256xi32, #tpu.memory_space<vmem>>, vector<16xi32>,
    %get3A_702 = arith.constant 192 : index
    %get3A_703 = tpu.vector_load %arg11[%get3A_702] {strides = array<i32>} : memref<256xi32, #tpu.memory_space<vmem>>, vector<16xi32>,
    %sub3A_704 = arith.subi %get3A_701, %get3A_703 : vector<16xi32>
    %add3A_705 = arith.constant 1 : i32
    %add3A_706 = vector.broadcast %add3A_705 : i32 to vector<16xi32>
    %add3A_707 = arith.addi %sub3A_704, %add3A_706 : vector<16xi32>
    %convert_element_type3A_708 = arith.sitofp %add3A_707 : vector<16xi32> to vector<16xf32>
    %bitcast3A_709 = vector.bitcast %convert_element_type3A_708 : vector<16xf32> to vector<16xi32>
    %shift_right_arithmetic3A_710 = arith.constant 1 : i32
    %shift_right_arithmetic3A_711 = vector.broadcast %shift_right_arithmetic3A_710 : i32 to vector<16xi32>
    %shift_right_arithmetic3A_712 = arith.shrsi %bitcast3A_709, %shift_right_arithmetic3A_711 : vector<16xi32>
    %sub3A_713 = arith.constant 1597463007 : i32
    %sub3A_714 = vector.broadcast %sub3A_713 : i32 to vector<16xi32>
    %sub3A_715 = arith.subi %sub3A_714, %shift_right_arithmetic3A_712 : vector<16xi32>
    %bitcast3A_716 = vector.bitcast %sub3A_715 : vector<16xi32> to vector<16xf32>
    %mul3A_717 = arith.constant 5.000000e-01 : f32
    %mul3A_718 = vector.broadcast %mul3A_717 : f32 to vector<16xf32>
    %mul3A_719 = arith.mulf %mul3A_718, %convert_element_type3A_708 : vector<16xf32>
    %mul3A_720 = arith.mulf %mul3A_719, %bitcast3A_716 : vector<16xf32>
    %mul3A_721 = arith.mulf %mul3A_720, %bitcast3A_716 : vector<16xf32>
    %sub3A_722 = arith.constant 1.500000e+00 : f32
    %sub3A_723 = vector.broadcast %sub3A_722 : f32 to vector<16xf32>
    %sub3A_724 = arith.subf %sub3A_723, %mul3A_721 : vector<16xf32>
    %mul3A_725 = arith.mulf %bitcast3A_716, %sub3A_724 : vector<16xf32>
    %mul3A_726 = arith.mulf %mul3A_719, %mul3A_725 : vector<16xf32>
    %mul3A_727 = arith.mulf %mul3A_726, %mul3A_725 : vector<16xf32>
    %sub3A_728 = arith.constant 1.500000e+00 : f32
    %sub3A_729 = vector.broadcast %sub3A_728 : f32 to vector<16xf32>
    %sub3A_730 = arith.subf %sub3A_729, %mul3A_727 : vector<16xf32>
    %mul3A_731 = arith.mulf %mul3A_725, %sub3A_730 : vector<16xf32>
    %mul3A_732 = arith.mulf %mul3A_719, %mul3A_731 : vector<16xf32>
    %mul3A_733 = arith.mulf %mul3A_732, %mul3A_731 : vector<16xf32>
    %sub3A_734 = arith.constant 1.500000e+00 : f32
    %sub3A_735 = vector.broadcast %sub3A_734 : f32 to vector<16xf32>
    %sub3A_736 = arith.subf %sub3A_735, %mul3A_733 : vector<16xf32>
    %mul3A_737 = arith.mulf %mul3A_731, %sub3A_736 : vector<16xf32>
    %eq3A_738 = arith.constant 0.000000e+00 : f32
    %eq3A_739 = vector.broadcast %eq3A_738 : f32 to vector<16xf32>
    %eq3A_740 = arith.cmpf oeq, %convert_element_type3A_708, %eq3A_739 : vector<16xf32>
    %jit3A_741 = arith.constant 0x7F800000 : f32
    %broadcast_in_dim3A_742 = vector.broadcast %jit3A_741 : f32 to vector<16xf32>
    %select_n3A_743 = arith.select %eq3A_740, %broadcast_in_dim3A_742, %mul3A_737 : vector<16xi1>, vector<16xf32>
    %swap3A_744 = arith.constant 192 : index
    %swap3A_745 = tpu.vector_load %arg9[%swap3A_744] {strides = array<i32>} : memref<256xf32, #tpu.memory_space<vmem>>, vector<16xf32>,
    tpu.vector_store %arg9[%swap3A_744], %select_n3A_743 {strides = array<i32>} : memref<256xf32, #tpu.memory_space<vmem>>, vector<16xf32>,
    %get3A_746 = arith.constant 208 : index
    %get3A_747 = tpu.vector_load %arg12[%get3A_746] {strides = array<i32>} : memref<256xi32, #tpu.memory_space<vmem>>, vector<16xi32>,
    %get3A_748 = arith.constant 208 : index
    %get3A_749 = tpu.vector_load %arg11[%get3A_748] {strides = array<i32>} : memref<256xi32, #tpu.memory_space<vmem>>, vector<16xi32>,
    %sub3A_750 = arith.subi %get3A_747, %get3A_749 : vector<16xi32>
    %add3A_751 = arith.constant 1 : i32
    %add3A_752 = vector.broadcast %add3A_751 : i32 to vector<16xi32>
    %add3A_753 = arith.addi %sub3A_750, %add3A_752 : vector<16xi32>
    %convert_element_type3A_754 = arith.sitofp %add3A_753 : vector<16xi32> to vector<16xf32>
    %bitcast3A_755 = vector.bitcast %convert_element_type3A_754 : vector<16xf32> to vector<16xi32>
    %shift_right_arithmetic3A_756 = arith.constant 1 : i32
    %shift_right_arithmetic3A_757 = vector.broadcast %shift_right_arithmetic3A_756 : i32 to vector<16xi32>
    %shift_right_arithmetic3A_758 = arith.shrsi %bitcast3A_755, %shift_right_arithmetic3A_757 : vector<16xi32>
    %sub3A_759 = arith.constant 1597463007 : i32
    %sub3A_760 = vector.broadcast %sub3A_759 : i32 to vector<16xi32>
    %sub3A_761 = arith.subi %sub3A_760, %shift_right_arithmetic3A_758 : vector<16xi32>
    %bitcast3A_762 = vector.bitcast %sub3A_761 : vector<16xi32> to vector<16xf32>
    %mul3A_763 = arith.constant 5.000000e-01 : f32
    %mul3A_764 = vector.broadcast %mul3A_763 : f32 to vector<16xf32>
    %mul3A_765 = arith.mulf %mul3A_764, %convert_element_type3A_754 : vector<16xf32>
    %mul3A_766 = arith.mulf %mul3A_765, %bitcast3A_762 : vector<16xf32>
    %mul3A_767 = arith.mulf %mul3A_766, %bitcast3A_762 : vector<16xf32>
    %sub3A_768 = arith.constant 1.500000e+00 : f32
    %sub3A_769 = vector.broadcast %sub3A_768 : f32 to vector<16xf32>
    %sub3A_770 = arith.subf %sub3A_769, %mul3A_767 : vector<16xf32>
    %mul3A_771 = arith.mulf %bitcast3A_762, %sub3A_770 : vector<16xf32>
    %mul3A_772 = arith.mulf %mul3A_765, %mul3A_771 : vector<16xf32>
    %mul3A_773 = arith.mulf %mul3A_772, %mul3A_771 : vector<16xf32>
    %sub3A_774 = arith.constant 1.500000e+00 : f32
    %sub3A_775 = vector.broadcast %sub3A_774 : f32 to vector<16xf32>
    %sub3A_776 = arith.subf %sub3A_775, %mul3A_773 : vector<16xf32>
    %mul3A_777 = arith.mulf %mul3A_771, %sub3A_776 : vector<16xf32>
    %mul3A_778 = arith.mulf %mul3A_765, %mul3A_777 : vector<16xf32>
    %mul3A_779 = arith.mulf %mul3A_778, %mul3A_777 : vector<16xf32>
    %sub3A_780 = arith.constant 1.500000e+00 : f32
    %sub3A_781 = vector.broadcast %sub3A_780 : f32 to vector<16xf32>
    %sub3A_782 = arith.subf %sub3A_781, %mul3A_779 : vector<16xf32>
    %mul3A_783 = arith.mulf %mul3A_777, %sub3A_782 : vector<16xf32>
    %eq3A_784 = arith.constant 0.000000e+00 : f32
    %eq3A_785 = vector.broadcast %eq3A_784 : f32 to vector<16xf32>
    %eq3A_786 = arith.cmpf oeq, %convert_element_type3A_754, %eq3A_785 : vector<16xf32>
    %jit3A_787 = arith.constant 0x7F800000 : f32
    %broadcast_in_dim3A_788 = vector.broadcast %jit3A_787 : f32 to vector<16xf32>
    %select_n3A_789 = arith.select %eq3A_786, %broadcast_in_dim3A_788, %mul3A_783 : vector<16xi1>, vector<16xf32>
    %swap3A_790 = arith.constant 208 : index
    %swap3A_791 = tpu.vector_load %arg9[%swap3A_790] {strides = array<i32>} : memref<256xf32, #tpu.memory_space<vmem>>, vector<16xf32>,
    tpu.vector_store %arg9[%swap3A_790], %select_n3A_789 {strides = array<i32>} : memref<256xf32, #tpu.memory_space<vmem>>, vector<16xf32>,
    %get3A_792 = arith.constant 224 : index
    %get3A_793 = tpu.vector_load %arg12[%get3A_792] {strides = array<i32>} : memref<256xi32, #tpu.memory_space<vmem>>, vector<16xi32>,
    %get3A_794 = arith.constant 224 : index
    %get3A_795 = tpu.vector_load %arg11[%get3A_794] {strides = array<i32>} : memref<256xi32, #tpu.memory_space<vmem>>, vector<16xi32>,
    %sub3A_796 = arith.subi %get3A_793, %get3A_795 : vector<16xi32>
    %add3A_797 = arith.constant 1 : i32
    %add3A_798 = vector.broadcast %add3A_797 : i32 to vector<16xi32>
    %add3A_799 = arith.addi %sub3A_796, %add3A_798 : vector<16xi32>
    %convert_element_type3A_800 = arith.sitofp %add3A_799 : vector<16xi32> to vector<16xf32>
    %bitcast3A_801 = vector.bitcast %convert_element_type3A_800 : vector<16xf32> to vector<16xi32>
    %shift_right_arithmetic3A_802 = arith.constant 1 : i32
    %shift_right_arithmetic3A_803 = vector.broadcast %shift_right_arithmetic3A_802 : i32 to vector<16xi32>
    %shift_right_arithmetic3A_804 = arith.shrsi %bitcast3A_801, %shift_right_arithmetic3A_803 : vector<16xi32>
    %sub3A_805 = arith.constant 1597463007 : i32
    %sub3A_806 = vector.broadcast %sub3A_805 : i32 to vector<16xi32>
    %sub3A_807 = arith.subi %sub3A_806, %shift_right_arithmetic3A_804 : vector<16xi32>
    %bitcast3A_808 = vector.bitcast %sub3A_807 : vector<16xi32> to vector<16xf32>
    %mul3A_809 = arith.constant 5.000000e-01 : f32
    %mul3A_810 = vector.broadcast %mul3A_809 : f32 to vector<16xf32>
    %mul3A_811 = arith.mulf %mul3A_810, %convert_element_type3A_800 : vector<16xf32>
    %mul3A_812 = arith.mulf %mul3A_811, %bitcast3A_808 : vector<16xf32>
    %mul3A_813 = arith.mulf %mul3A_812, %bitcast3A_808 : vector<16xf32>
    %sub3A_814 = arith.constant 1.500000e+00 : f32
    %sub3A_815 = vector.broadcast %sub3A_814 : f32 to vector<16xf32>
    %sub3A_816 = arith.subf %sub3A_815, %mul3A_813 : vector<16xf32>
    %mul3A_817 = arith.mulf %bitcast3A_808, %sub3A_816 : vector<16xf32>
    %mul3A_818 = arith.mulf %mul3A_811, %mul3A_817 : vector<16xf32>
    %mul3A_819 = arith.mulf %mul3A_818, %mul3A_817 : vector<16xf32>
    %sub3A_820 = arith.constant 1.500000e+00 : f32
    %sub3A_821 = vector.broadcast %sub3A_820 : f32 to vector<16xf32>
    %sub3A_822 = arith.subf %sub3A_821, %mul3A_819 : vector<16xf32>
    %mul3A_823 = arith.mulf %mul3A_817, %sub3A_822 : vector<16xf32>
    %mul3A_824 = arith.mulf %mul3A_811, %mul3A_823 : vector<16xf32>
    %mul3A_825 = arith.mulf %mul3A_824, %mul3A_823 : vector<16xf32>
    %sub3A_826 = arith.constant 1.500000e+00 : f32
    %sub3A_827 = vector.broadcast %sub3A_826 : f32 to vector<16xf32>
    %sub3A_828 = arith.subf %sub3A_827, %mul3A_825 : vector<16xf32>
    %mul3A_829 = arith.mulf %mul3A_823, %sub3A_828 : vector<16xf32>
    %eq3A_830 = arith.constant 0.000000e+00 : f32
    %eq3A_831 = vector.broadcast %eq3A_830 : f32 to vector<16xf32>
    %eq3A_832 = arith.cmpf oeq, %convert_element_type3A_800, %eq3A_831 : vector<16xf32>
    %jit3A_833 = arith.constant 0x7F800000 : f32
    %broadcast_in_dim3A_834 = vector.broadcast %jit3A_833 : f32 to vector<16xf32>
    %select_n3A_835 = arith.select %eq3A_832, %broadcast_in_dim3A_834, %mul3A_829 : vector<16xi1>, vector<16xf32>
    %swap3A_836 = arith.constant 224 : index
    %swap3A_837 = tpu.vector_load %arg9[%swap3A_836] {strides = array<i32>} : memref<256xf32, #tpu.memory_space<vmem>>, vector<16xf32>,
    tpu.vector_store %arg9[%swap3A_836], %select_n3A_835 {strides = array<i32>} : memref<256xf32, #tpu.memory_space<vmem>>, vector<16xf32>,
    %get3A_838 = arith.constant 240 : index
    %get3A_839 = tpu.vector_load %arg12[%get3A_838] {strides = array<i32>} : memref<256xi32, #tpu.memory_space<vmem>>, vector<16xi32>,
    %get3A_840 = arith.constant 240 : index
    %get3A_841 = tpu.vector_load %arg11[%get3A_840] {strides = array<i32>} : memref<256xi32, #tpu.memory_space<vmem>>, vector<16xi32>,
    %sub3A_842 = arith.subi %get3A_839, %get3A_841 : vector<16xi32>
    %add3A_843 = arith.constant 1 : i32
    %add3A_844 = vector.broadcast %add3A_843 : i32 to vector<16xi32>
    %add3A_845 = arith.addi %sub3A_842, %add3A_844 : vector<16xi32>
    %convert_element_type3A_846 = arith.sitofp %add3A_845 : vector<16xi32> to vector<16xf32>
    %bitcast3A_847 = vector.bitcast %convert_element_type3A_846 : vector<16xf32> to vector<16xi32>
    %shift_right_arithmetic3A_848 = arith.constant 1 : i32
    %shift_right_arithmetic3A_849 = vector.broadcast %shift_right_arithmetic3A_848 : i32 to vector<16xi32>
    %shift_right_arithmetic3A_850 = arith.shrsi %bitcast3A_847, %shift_right_arithmetic3A_849 : vector<16xi32>
    %sub3A_851 = arith.constant 1597463007 : i32
    %sub3A_852 = vector.broadcast %sub3A_851 : i32 to vector<16xi32>
    %sub3A_853 = arith.subi %sub3A_852, %shift_right_arithmetic3A_850 : vector<16xi32>
    %bitcast3A_854 = vector.bitcast %sub3A_853 : vector<16xi32> to vector<16xf32>
    %mul3A_855 = arith.constant 5.000000e-01 : f32
    %mul3A_856 = vector.broadcast %mul3A_855 : f32 to vector<16xf32>
    %mul3A_857 = arith.mulf %mul3A_856, %convert_element_type3A_846 : vector<16xf32>
    %mul3A_858 = arith.mulf %mul3A_857, %bitcast3A_854 : vector<16xf32>
    %mul3A_859 = arith.mulf %mul3A_858, %bitcast3A_854 : vector<16xf32>
    %sub3A_860 = arith.constant 1.500000e+00 : f32
    %sub3A_861 = vector.broadcast %sub3A_860 : f32 to vector<16xf32>
    %sub3A_862 = arith.subf %sub3A_861, %mul3A_859 : vector<16xf32>
    %mul3A_863 = arith.mulf %bitcast3A_854, %sub3A_862 : vector<16xf32>
    %mul3A_864 = arith.mulf %mul3A_857, %mul3A_863 : vector<16xf32>
    %mul3A_865 = arith.mulf %mul3A_864, %mul3A_863 : vector<16xf32>
    %sub3A_866 = arith.constant 1.500000e+00 : f32
    %sub3A_867 = vector.broadcast %sub3A_866 : f32 to vector<16xf32>
    %sub3A_868 = arith.subf %sub3A_867, %mul3A_865 : vector<16xf32>
    %mul3A_869 = arith.mulf %mul3A_863, %sub3A_868 : vector<16xf32>
    %mul3A_870 = arith.mulf %mul3A_857, %mul3A_869 : vector<16xf32>
    %mul3A_871 = arith.mulf %mul3A_870, %mul3A_869 : vector<16xf32>
    %sub3A_872 = arith.constant 1.500000e+00 : f32
    %sub3A_873 = vector.broadcast %sub3A_872 : f32 to vector<16xf32>
    %sub3A_874 = arith.subf %sub3A_873, %mul3A_871 : vector<16xf32>
    %mul3A_875 = arith.mulf %mul3A_869, %sub3A_874 : vector<16xf32>
    %eq3A_876 = arith.constant 0.000000e+00 : f32
    %eq3A_877 = vector.broadcast %eq3A_876 : f32 to vector<16xf32>
    %eq3A_878 = arith.cmpf oeq, %convert_element_type3A_846, %eq3A_877 : vector<16xf32>
    %jit3A_879 = arith.constant 0x7F800000 : f32
    %broadcast_in_dim3A_880 = vector.broadcast %jit3A_879 : f32 to vector<16xf32>
    %select_n3A_881 = arith.select %eq3A_878, %broadcast_in_dim3A_880, %mul3A_875 : vector<16xi1>, vector<16xf32>
    %swap3A_882 = arith.constant 240 : index
    %swap3A_883 = tpu.vector_load %arg9[%swap3A_882] {strides = array<i32>} : memref<256xf32, #tpu.memory_space<vmem>>, vector<16xf32>,
    tpu.vector_store %arg9[%swap3A_882], %select_n3A_881 {strides = array<i32>} : memref<256xf32, #tpu.memory_space<vmem>>, vector<16xf32>,
    %eq3A_884 = arith.constant 0 : i32
    %eq3A_885 = arith.cmpi eq, %arg1, %eq3A_884 : i32
    %convert_element_type3A_886 = arith.extui %eq3A_885 : i1 to i32
    %cond3A_887 = arith.constant 0 : i32
    %cond3A_888 = arith.cmpi ne, %convert_element_type3A_886, %cond3A_887 : i32
    scf.if %cond3A_888 {
      tpu.wait_dma2 semaphore(%arg23 : memref<!tpu.dma_semaphore, #tpu.memory_space<semaphore_mem>>) src(%arg4 : memref<100000xi32, #tpu.memory_space<hbm>>) dst(%arg7 : memref<100000xi32, #tpu.memory_space<vmem_shared>>)
    } else {
    }
    %barrier3A = arith.constant 0 : index
    tpu.barrier barrier_id(%barrier3A)
    "tpu.region"() ({
      %run_scoped3A = tpu.sem_alloc : memref<!tpu.dma_semaphore, #tpu.memory_space<semaphore_mem>>
      tpu.enqueue_dma source(%arg7 : memref<100000xi32, #tpu.memory_space<vmem_shared>>) target(%arg8 : memref<100000xi32, #tpu.memory_space<vmem>>) target_semaphore(%run_scoped3A : memref<!tpu.dma_semaphore, #tpu.memory_space<semaphore_mem>>)
      tpu.wait_dma2 semaphore(%run_scoped3A : memref<!tpu.dma_semaphore, #tpu.memory_space<semaphore_mem>>) src(%arg7 : memref<100000xi32, #tpu.memory_space<vmem_shared>>) dst(%arg8 : memref<100000xi32, #tpu.memory_space<vmem>>)
      tpu.yield
    }) : () -> ()
    %scan3A_889 = arith.constant 0 : i32
    %scan3A_890 = arith.constant 0 : i32
    %scan3A_891 = arith.constant 19 : i32
    %scan3A_892 = arith.addi %scan3A_890, %scan3A_891 : i32
    %scan3A_893 = arith.constant 1 : i32
    %scan3A_894 = scf.for %scan3A_929 = %scan3A_890 to %scan3A_892 step %scan3A_893 iter_args(%scan3A_930 = %scan3A_889) -> (i32)  : i32 {
      %mul3A_931 = arith.constant 2 : i32
      %mul3A_932 = arith.muli %scan3A_929, %mul3A_931 : i32
      %add3A_933 = arith.constant 0 : i32
      %add3A_934 = arith.addi %mul3A_932, %add3A_933 : i32
      %dma_wait3A_935 = arith.constant 0 : i32
      %dma_wait3A_936 = arith.constant 0 : i32
      %dma_wait3A_937 = tpu.memref_slice %arg2[%dma_wait3A_935, %dma_wait3A_936] : memref<2x3200000xi32, #tpu.memory_space<hbm>> -> memref<2x2560xi32, #tpu.memory_space<hbm>>
      %dma_wait3A_938 = arith.constant 0 : i32
      %dma_wait3A_939 = arith.constant 0 : i32
      %dma_wait3A_940 = tpu.memref_slice %arg2[%dma_wait3A_938, %dma_wait3A_939] : memref<2x3200000xi32, #tpu.memory_space<hbm>> -> memref<2x2560xi32, #tpu.memory_space<hbm>>
      tpu.wait_dma2 semaphore(%arg19 : memref<!tpu.dma_semaphore, #tpu.memory_space<semaphore_mem>>) src(%dma_wait3A_940 : memref<2x2560xi32, #tpu.memory_space<hbm>>) dst(%arg13 : memref<2x2560xi32, #tpu.memory_space<vmem>>)
      %dma_wait3A_941 = arith.constant 0 : i32
      %dma_wait3A_942 = tpu.memref_slice %arg3[%dma_wait3A_941] : memref<3200000xf32, #tpu.memory_space<hbm>> -> memref<2560xf32, #tpu.memory_space<hbm>>
      %dma_wait3A_943 = arith.constant 0 : i32
      %dma_wait3A_944 = tpu.memref_slice %arg3[%dma_wait3A_943] : memref<3200000xf32, #tpu.memory_space<hbm>> -> memref<2560xf32, #tpu.memory_space<hbm>>
      tpu.wait_dma2 semaphore(%arg19 : memref<!tpu.dma_semaphore, #tpu.memory_space<semaphore_mem>>) src(%dma_wait3A_944 : memref<2560xf32, #tpu.memory_space<hbm>>) dst(%arg15 : memref<2560xf32, #tpu.memory_space<vmem>>)
      %ge3A = arith.constant 1 : i32
      %ge3A_945 = arith.cmpi sge, %scan3A_929, %ge3A : i32
      %convert_element_type3A_946 = arith.extui %ge3A_945 : i1 to i32
      %cond3A_947 = arith.constant 0 : i32
      %cond3A_948 = arith.cmpi ne, %convert_element_type3A_946, %cond3A_947 : i32
      scf.if %cond3A_948 {
        %dma_wait3A_1007 = arith.constant 0 : i32
        %dma_wait3A_1008 = tpu.memref_slice %arg6[%dma_wait3A_1007] : memref<3200000xf32, #tpu.memory_space<hbm>> -> memref<2560xf32, #tpu.memory_space<hbm>>
        %dma_wait3A_1009 = arith.constant 0 : i32
        %dma_wait3A_1010 = tpu.memref_slice %arg6[%dma_wait3A_1009] : memref<3200000xf32, #tpu.memory_space<hbm>> -> memref<2560xf32, #tpu.memory_space<hbm>>
        tpu.wait_dma2 semaphore(%arg21 : memref<!tpu.dma_semaphore, #tpu.memory_space<semaphore_mem>>) src(%arg17 : memref<2560xf32, #tpu.memory_space<vmem>>) dst(%dma_wait3A_1010 : memref<2560xf32, #tpu.memory_space<hbm>>)
      } else {
      }
      %parallel_loop3A_949 = arith.constant 0 : i32
      %parallel_loop3A_950 = arith.constant 2560 : i32
      %parallel_loop3A_951 = arith.constant 16 : i32
      scf.for %parallel_loop3A_1007 = %parallel_loop3A_949 to %parallel_loop3A_950 step %parallel_loop3A_951  : i32 {
        %parallel_loop3A_1008 = arith.constant 0 : i32
        %parallel_loop3A_1009 = arith.index_cast %parallel_loop3A_1008 : i32 to index
        %parallel_loop3A_1010 = arith.index_cast %parallel_loop3A_1007 : i32 to index
        %parallel_loop3A_1011 = tpu.vector_load %arg13[%parallel_loop3A_1009, %parallel_loop3A_1010] {strides = array<i32>} : memref<2x2560xi32, #tpu.memory_space<vmem>>, vector<16xi32>,
        %parallel_loop3A_1012 = tpu.vector_load_idx %arg8[%parallel_loop3A_1011] : memref<100000xi32, #tpu.memory_space<vmem>>[vector<16xi32>], vector<16xi32>,
        %parallel_loop3A_1013 = tpu.vector_load_idx %arg9[%parallel_loop3A_1012] : memref<256xf32, #tpu.memory_space<vmem>>[vector<16xi32>], vector<16xf32>,
        %parallel_loop3A_1014 = arith.index_cast %parallel_loop3A_1007 : i32 to index
        %parallel_loop3A_1015 = tpu.vector_load %arg15[%parallel_loop3A_1014] {strides = array<i32>} : memref<2560xf32, #tpu.memory_space<vmem>>, vector<16xf32>,
        %parallel_loop3A_1016 = arith.mulf %parallel_loop3A_1013, %parallel_loop3A_1015 : vector<16xf32>
        %parallel_loop3A_1017 = arith.index_cast %parallel_loop3A_1007 : i32 to index
        %parallel_loop3A_1018 = tpu.vector_load %arg17[%parallel_loop3A_1017] {strides = array<i32>} : memref<2560xf32, #tpu.memory_space<vmem>>, vector<16xf32>,
        tpu.vector_store %arg17[%parallel_loop3A_1017], %parallel_loop3A_1016 {strides = array<i32>} : memref<2560xf32, #tpu.memory_space<vmem>>, vector<16xf32>,
      } {sc.loop_unroll_factor = 16 : i64, sc.parallel_access}
      %mul3A_952 = arith.constant 32 : i32
      %mul3A_953 = arith.muli %add3A_934, %mul3A_952 : i32
      %add3A_954 = arith.addi %mul3A_953, %add3A : i32
      %mul3A_955 = arith.constant 2560 : i32
      %mul3A_956 = arith.muli %add3A_954, %mul3A_955 : i32
      %dma_start3A_957 = tpu.memref_slice %arg6[%mul3A_956] : memref<3200000xf32, #tpu.memory_space<hbm>> -> memref<2560xf32, #tpu.memory_space<hbm>>
      %dma_start3A_958 = tpu.memref_slice %arg6[%mul3A_956] : memref<3200000xf32, #tpu.memory_space<hbm>> -> memref<2560xf32, #tpu.memory_space<hbm>>
      tpu.enqueue_dma source(%arg17 : memref<2560xf32, #tpu.memory_space<vmem>>) target(%dma_start3A_958 : memref<2560xf32, #tpu.memory_space<hbm>>) target_semaphore(%arg21 : memref<!tpu.dma_semaphore, #tpu.memory_space<semaphore_mem>>)
      %add3A_959 = arith.constant 2 : i32
      %add3A_960 = arith.addi %add3A_934, %add3A_959 : i32
      %mul3A_961 = arith.constant 32 : i32
      %mul3A_962 = arith.muli %add3A_960, %mul3A_961 : i32
      %add3A_963 = arith.addi %mul3A_962, %add3A : i32
      %mul3A_964 = arith.constant 2560 : i32
      %mul3A_965 = arith.muli %add3A_963, %mul3A_964 : i32
      %dma_start3A_966 = arith.constant 0 : i32
      %dma_start3A_967 = tpu.memref_slice %arg2[%dma_start3A_966, %mul3A_965] : memref<2x3200000xi32, #tpu.memory_space<hbm>> -> memref<2x2560xi32, #tpu.memory_space<hbm>>
      %dma_start3A_968 = arith.constant 0 : i32
      %dma_start3A_969 = tpu.memref_slice %arg2[%dma_start3A_968, %mul3A_965] : memref<2x3200000xi32, #tpu.memory_space<hbm>> -> memref<2x2560xi32, #tpu.memory_space<hbm>>
      tpu.enqueue_dma source(%dma_start3A_969 : memref<2x2560xi32, #tpu.memory_space<hbm>>) target(%arg13 : memref<2x2560xi32, #tpu.memory_space<vmem>>) target_semaphore(%arg19 : memref<!tpu.dma_semaphore, #tpu.memory_space<semaphore_mem>>)
      %dma_start3A_970 = tpu.memref_slice %arg3[%mul3A_965] : memref<3200000xf32, #tpu.memory_space<hbm>> -> memref<2560xf32, #tpu.memory_space<hbm>>
      %dma_start3A_971 = tpu.memref_slice %arg3[%mul3A_965] : memref<3200000xf32, #tpu.memory_space<hbm>> -> memref<2560xf32, #tpu.memory_space<hbm>>
      tpu.enqueue_dma source(%dma_start3A_971 : memref<2560xf32, #tpu.memory_space<hbm>>) target(%arg15 : memref<2560xf32, #tpu.memory_space<vmem>>) target_semaphore(%arg19 : memref<!tpu.dma_semaphore, #tpu.memory_space<semaphore_mem>>)
      %mul3A_972 = arith.constant 2 : i32
      %mul3A_973 = arith.muli %scan3A_929, %mul3A_972 : i32
      %add3A_974 = arith.constant 1 : i32
      %add3A_975 = arith.addi %mul3A_973, %add3A_974 : i32
      %dma_wait3A_976 = arith.constant 0 : i32
      %dma_wait3A_977 = arith.constant 0 : i32
      %dma_wait3A_978 = tpu.memref_slice %arg2[%dma_wait3A_976, %dma_wait3A_977] : memref<2x3200000xi32, #tpu.memory_space<hbm>> -> memref<2x2560xi32, #tpu.memory_space<hbm>>
      %dma_wait3A_979 = arith.constant 0 : i32
      %dma_wait3A_980 = arith.constant 0 : i32
      %dma_wait3A_981 = tpu.memref_slice %arg2[%dma_wait3A_979, %dma_wait3A_980] : memref<2x3200000xi32, #tpu.memory_space<hbm>> -> memref<2x2560xi32, #tpu.memory_space<hbm>>
      tpu.wait_dma2 semaphore(%arg20 : memref<!tpu.dma_semaphore, #tpu.memory_space<semaphore_mem>>) src(%dma_wait3A_981 : memref<2x2560xi32, #tpu.memory_space<hbm>>) dst(%arg14 : memref<2x2560xi32, #tpu.memory_space<vmem>>)
      %dma_wait3A_982 = arith.constant 0 : i32
      %dma_wait3A_983 = tpu.memref_slice %arg3[%dma_wait3A_982] : memref<3200000xf32, #tpu.memory_space<hbm>> -> memref<2560xf32, #tpu.memory_space<hbm>>
      %dma_wait3A_984 = arith.constant 0 : i32
      %dma_wait3A_985 = tpu.memref_slice %arg3[%dma_wait3A_984] : memref<3200000xf32, #tpu.memory_space<hbm>> -> memref<2560xf32, #tpu.memory_space<hbm>>
      tpu.wait_dma2 semaphore(%arg20 : memref<!tpu.dma_semaphore, #tpu.memory_space<semaphore_mem>>) src(%dma_wait3A_985 : memref<2560xf32, #tpu.memory_space<hbm>>) dst(%arg16 : memref<2560xf32, #tpu.memory_space<vmem>>)
      %ge3A_986 = arith.constant 1 : i32
      %ge3A_987 = arith.cmpi sge, %scan3A_929, %ge3A_986 : i32
      %convert_element_type3A_988 = arith.extui %ge3A_987 : i1 to i32
      %cond3A_989 = arith.constant 0 : i32
      %cond3A_990 = arith.cmpi ne, %convert_element_type3A_988, %cond3A_989 : i32
      scf.if %cond3A_990 {
        %dma_wait3A_1007 = arith.constant 0 : i32
        %dma_wait3A_1008 = tpu.memref_slice %arg6[%dma_wait3A_1007] : memref<3200000xf32, #tpu.memory_space<hbm>> -> memref<2560xf32, #tpu.memory_space<hbm>>
        %dma_wait3A_1009 = arith.constant 0 : i32
        %dma_wait3A_1010 = tpu.memref_slice %arg6[%dma_wait3A_1009] : memref<3200000xf32, #tpu.memory_space<hbm>> -> memref<2560xf32, #tpu.memory_space<hbm>>
        tpu.wait_dma2 semaphore(%arg22 : memref<!tpu.dma_semaphore, #tpu.memory_space<semaphore_mem>>) src(%arg18 : memref<2560xf32, #tpu.memory_space<vmem>>) dst(%dma_wait3A_1010 : memref<2560xf32, #tpu.memory_space<hbm>>)
      } else {
      }
      %parallel_loop3A_991 = arith.constant 0 : i32
      %parallel_loop3A_992 = arith.constant 2560 : i32
      %parallel_loop3A_993 = arith.constant 16 : i32
      scf.for %parallel_loop3A_1007 = %parallel_loop3A_991 to %parallel_loop3A_992 step %parallel_loop3A_993  : i32 {
        %parallel_loop3A_1008 = arith.constant 0 : i32
        %parallel_loop3A_1009 = arith.index_cast %parallel_loop3A_1008 : i32 to index
        %parallel_loop3A_1010 = arith.index_cast %parallel_loop3A_1007 : i32 to index
        %parallel_loop3A_1011 = tpu.vector_load %arg14[%parallel_loop3A_1009, %parallel_loop3A_1010] {strides = array<i32>} : memref<2x2560xi32, #tpu.memory_space<vmem>>, vector<16xi32>,
        %parallel_loop3A_1012 = tpu.vector_load_idx %arg8[%parallel_loop3A_1011] : memref<100000xi32, #tpu.memory_space<vmem>>[vector<16xi32>], vector<16xi32>,
        %parallel_loop3A_1013 = tpu.vector_load_idx %arg9[%parallel_loop3A_1012] : memref<256xf32, #tpu.memory_space<vmem>>[vector<16xi32>], vector<16xf32>,
        %parallel_loop3A_1014 = arith.index_cast %parallel_loop3A_1007 : i32 to index
        %parallel_loop3A_1015 = tpu.vector_load %arg16[%parallel_loop3A_1014] {strides = array<i32>} : memref<2560xf32, #tpu.memory_space<vmem>>, vector<16xf32>,
        %parallel_loop3A_1016 = arith.mulf %parallel_loop3A_1013, %parallel_loop3A_1015 : vector<16xf32>
        %parallel_loop3A_1017 = arith.index_cast %parallel_loop3A_1007 : i32 to index
        %parallel_loop3A_1018 = tpu.vector_load %arg18[%parallel_loop3A_1017] {strides = array<i32>} : memref<2560xf32, #tpu.memory_space<vmem>>, vector<16xf32>,
        tpu.vector_store %arg18[%parallel_loop3A_1017], %parallel_loop3A_1016 {strides = array<i32>} : memref<2560xf32, #tpu.memory_space<vmem>>, vector<16xf32>,
      } {sc.loop_unroll_factor = 16 : i64, sc.parallel_access}
      %mul3A_994 = arith.constant 32 : i32
      %mul3A_995 = arith.muli %add3A_975, %mul3A_994 : i32
      %add3A_996 = arith.addi %mul3A_995, %add3A : i32
      %mul3A_997 = arith.constant 2560 : i32
      %mul3A_998 = arith.muli %add3A_996, %mul3A_997 : i32
      %dma_start3A_999 = tpu.memref_slice %arg6[%mul3A_998] : memref<3200000xf32, #tpu.memory_space<hbm>> -> memref<2560xf32, #tpu.memory_space<hbm>>
      %dma_start3A_1000 = tpu.memref_slice %arg6[%mul3A_998] : memref<3200000xf32, #tpu.memory_space<hbm>> -> memref<2560xf32, #tpu.memory_space<hbm>>
      tpu.enqueue_dma source(%arg18 : memref<2560xf32, #tpu.memory_space<vmem>>) target(%dma_start3A_1000 : memref<2560xf32, #tpu.memory_space<hbm>>) target_semaphore(%arg22 : memref<!tpu.dma_semaphore, #tpu.memory_space<semaphore_mem>>)
      %lt3A_1001 = arith.constant 18 : i32
      %lt3A_1002 = arith.cmpi slt, %scan3A_929, %lt3A_1001 : i32
      %convert_element_type3A_1003 = arith.extui %lt3A_1002 : i1 to i32
      %cond3A_1004 = arith.constant 0 : i32
      %cond3A_1005 = arith.cmpi ne, %convert_element_type3A_1003, %cond3A_1004 : i32
      scf.if %cond3A_1005 {
        %add3A_1007 = arith.constant 2 : i32
        %add3A_1008 = arith.addi %add3A_975, %add3A_1007 : i32
        %mul3A_1009 = arith.constant 32 : i32
        %mul3A_1010 = arith.muli %add3A_1008, %mul3A_1009 : i32
        %add3A_1011 = arith.addi %mul3A_1010, %add3A : i32
        %mul3A_1012 = arith.constant 2560 : i32
        %mul3A_1013 = arith.muli %add3A_1011, %mul3A_1012 : i32
        %dma_start3A_1014 = arith.constant 0 : i32
        %dma_start3A_1015 = tpu.memref_slice %arg2[%dma_start3A_1014, %mul3A_1013] : memref<2x3200000xi32, #tpu.memory_space<hbm>> -> memref<2x2560xi32, #tpu.memory_space<hbm>>
        %dma_start3A_1016 = arith.constant 0 : i32
        %dma_start3A_1017 = tpu.memref_slice %arg2[%dma_start3A_1016, %mul3A_1013] : memref<2x3200000xi32, #tpu.memory_space<hbm>> -> memref<2x2560xi32, #tpu.memory_space<hbm>>
        tpu.enqueue_dma source(%dma_start3A_1017 : memref<2x2560xi32, #tpu.memory_space<hbm>>) target(%arg14 : memref<2x2560xi32, #tpu.memory_space<vmem>>) target_semaphore(%arg20 : memref<!tpu.dma_semaphore, #tpu.memory_space<semaphore_mem>>)
        %dma_start3A_1018 = tpu.memref_slice %arg3[%mul3A_1013] : memref<3200000xf32, #tpu.memory_space<hbm>> -> memref<2560xf32, #tpu.memory_space<hbm>>
        %dma_start3A_1019 = tpu.memref_slice %arg3[%mul3A_1013] : memref<3200000xf32, #tpu.memory_space<hbm>> -> memref<2560xf32, #tpu.memory_space<hbm>>
        tpu.enqueue_dma source(%dma_start3A_1019 : memref<2560xf32, #tpu.memory_space<hbm>>) target(%arg16 : memref<2560xf32, #tpu.memory_space<vmem>>) target_semaphore(%arg20 : memref<!tpu.dma_semaphore, #tpu.memory_space<semaphore_mem>>)
      } else {
      }
      %scan3A_1006 = arith.constant 0 : i32
      scf.yield %scan3A_1006 : i32
    }
    %scan3A_895 = arith.constant 19 : i32
    %dma_wait3A = arith.constant 0 : i32
    %dma_wait3A_896 = arith.constant 0 : i32
    %dma_wait3A_897 = tpu.memref_slice %arg2[%dma_wait3A, %dma_wait3A_896] : memref<2x3200000xi32, #tpu.memory_space<hbm>> -> memref<2x2560xi32, #tpu.memory_space<hbm>>
    %dma_wait3A_898 = arith.constant 0 : i32
    %dma_wait3A_899 = arith.constant 0 : i32
    %dma_wait3A_900 = tpu.memref_slice %arg2[%dma_wait3A_898, %dma_wait3A_899] : memref<2x3200000xi32, #tpu.memory_space<hbm>> -> memref<2x2560xi32, #tpu.memory_space<hbm>>
    tpu.wait_dma2 semaphore(%arg19 : memref<!tpu.dma_semaphore, #tpu.memory_space<semaphore_mem>>) src(%dma_wait3A_900 : memref<2x2560xi32, #tpu.memory_space<hbm>>) dst(%arg13 : memref<2x2560xi32, #tpu.memory_space<vmem>>)
    %dma_wait3A_901 = arith.constant 0 : i32
    %dma_wait3A_902 = tpu.memref_slice %arg3[%dma_wait3A_901] : memref<3200000xf32, #tpu.memory_space<hbm>> -> memref<2560xf32, #tpu.memory_space<hbm>>
    %dma_wait3A_903 = arith.constant 0 : i32
    %dma_wait3A_904 = tpu.memref_slice %arg3[%dma_wait3A_903] : memref<3200000xf32, #tpu.memory_space<hbm>> -> memref<2560xf32, #tpu.memory_space<hbm>>
    tpu.wait_dma2 semaphore(%arg19 : memref<!tpu.dma_semaphore, #tpu.memory_space<semaphore_mem>>) src(%dma_wait3A_904 : memref<2560xf32, #tpu.memory_space<hbm>>) dst(%arg15 : memref<2560xf32, #tpu.memory_space<vmem>>)
    %dma_wait3A_905 = arith.constant 0 : i32
    %dma_wait3A_906 = tpu.memref_slice %arg6[%dma_wait3A_905] : memref<3200000xf32, #tpu.memory_space<hbm>> -> memref<2560xf32, #tpu.memory_space<hbm>>
    %dma_wait3A_907 = arith.constant 0 : i32
    %dma_wait3A_908 = tpu.memref_slice %arg6[%dma_wait3A_907] : memref<3200000xf32, #tpu.memory_space<hbm>> -> memref<2560xf32, #tpu.memory_space<hbm>>
    tpu.wait_dma2 semaphore(%arg21 : memref<!tpu.dma_semaphore, #tpu.memory_space<semaphore_mem>>) src(%arg17 : memref<2560xf32, #tpu.memory_space<vmem>>) dst(%dma_wait3A_908 : memref<2560xf32, #tpu.memory_space<hbm>>)
    %parallel_loop3A = arith.constant 0 : i32
    %parallel_loop3A_909 = arith.constant 2560 : i32
    %parallel_loop3A_910 = arith.constant 16 : i32
    scf.for %parallel_loop3A_929 = %parallel_loop3A to %parallel_loop3A_909 step %parallel_loop3A_910  : i32 {
      %parallel_loop3A_930 = arith.constant 0 : i32
      %parallel_loop3A_931 = arith.index_cast %parallel_loop3A_930 : i32 to index
      %parallel_loop3A_932 = arith.index_cast %parallel_loop3A_929 : i32 to index
      %parallel_loop3A_933 = tpu.vector_load %arg13[%parallel_loop3A_931, %parallel_loop3A_932] {strides = array<i32>} : memref<2x2560xi32, #tpu.memory_space<vmem>>, vector<16xi32>,
      %parallel_loop3A_934 = tpu.vector_load_idx %arg8[%parallel_loop3A_933] : memref<100000xi32, #tpu.memory_space<vmem>>[vector<16xi32>], vector<16xi32>,
      %parallel_loop3A_935 = tpu.vector_load_idx %arg9[%parallel_loop3A_934] : memref<256xf32, #tpu.memory_space<vmem>>[vector<16xi32>], vector<16xf32>,
      %parallel_loop3A_936 = arith.index_cast %parallel_loop3A_929 : i32 to index
      %parallel_loop3A_937 = tpu.vector_load %arg15[%parallel_loop3A_936] {strides = array<i32>} : memref<2560xf32, #tpu.memory_space<vmem>>, vector<16xf32>,
      %parallel_loop3A_938 = arith.mulf %parallel_loop3A_935, %parallel_loop3A_937 : vector<16xf32>
      %parallel_loop3A_939 = arith.index_cast %parallel_loop3A_929 : i32 to index
      %parallel_loop3A_940 = tpu.vector_load %arg17[%parallel_loop3A_939] {strides = array<i32>} : memref<2560xf32, #tpu.memory_space<vmem>>, vector<16xf32>,
      tpu.vector_store %arg17[%parallel_loop3A_939], %parallel_loop3A_938 {strides = array<i32>} : memref<2560xf32, #tpu.memory_space<vmem>>, vector<16xf32>,
    } {sc.loop_unroll_factor = 16 : i64, sc.parallel_access}
    %add3A_911 = arith.constant 1216 : i32
    %add3A_912 = arith.addi %add3A_911, %add3A : i32
    %mul3A_913 = arith.constant 2560 : i32
    %mul3A_914 = arith.muli %add3A_912, %mul3A_913 : i32
    %dma_start3A_915 = tpu.memref_slice %arg6[%mul3A_914] : memref<3200000xf32, #tpu.memory_space<hbm>> -> memref<2560xf32, #tpu.memory_space<hbm>>
    %dma_start3A_916 = tpu.memref_slice %arg6[%mul3A_914] : memref<3200000xf32, #tpu.memory_space<hbm>> -> memref<2560xf32, #tpu.memory_space<hbm>>
    tpu.enqueue_dma source(%arg17 : memref<2560xf32, #tpu.memory_space<vmem>>) target(%dma_start3A_916 : memref<2560xf32, #tpu.memory_space<hbm>>) target_semaphore(%arg21 : memref<!tpu.dma_semaphore, #tpu.memory_space<semaphore_mem>>)
    %dma_wait3A_917 = arith.constant 0 : i32
    %dma_wait3A_918 = tpu.memref_slice %arg6[%dma_wait3A_917] : memref<3200000xf32, #tpu.memory_space<hbm>> -> memref<2560xf32, #tpu.memory_space<hbm>>
    %dma_wait3A_919 = arith.constant 0 : i32
    %dma_wait3A_920 = tpu.memref_slice %arg6[%dma_wait3A_919] : memref<3200000xf32, #tpu.memory_space<hbm>> -> memref<2560xf32, #tpu.memory_space<hbm>>
    tpu.wait_dma2 semaphore(%arg22 : memref<!tpu.dma_semaphore, #tpu.memory_space<semaphore_mem>>) src(%arg18 : memref<2560xf32, #tpu.memory_space<vmem>>) dst(%dma_wait3A_920 : memref<2560xf32, #tpu.memory_space<hbm>>)
    %lt3A = arith.constant 2 : i32
    %lt3A_921 = arith.cmpi slt, %add3A, %lt3A : i32
    %convert_element_type3A_922 = arith.extui %lt3A_921 : i1 to i32
    %cond3A_923 = arith.constant 0 : i32
    %cond3A_924 = arith.cmpi ne, %convert_element_type3A_922, %cond3A_923 : i32
    scf.if %cond3A_924 {
      %add3A_929 = arith.constant 1248 : i32
      %add3A_930 = arith.addi %add3A_929, %add3A : i32
      %mul3A_931 = arith.constant 2560 : i32
      %mul3A_932 = arith.muli %add3A_930, %mul3A_931 : i32
      "tpu.region"() ({
        %run_scoped3A = tpu.sem_alloc : memref<!tpu.dma_semaphore, #tpu.memory_space<semaphore_mem>>
        %dma_start3A_936 = arith.constant 0 : i32
        %dma_start3A_937 = tpu.memref_slice %arg2[%dma_start3A_936, %mul3A_932] : memref<2x3200000xi32, #tpu.memory_space<hbm>> -> memref<2x2560xi32, #tpu.memory_space<hbm>>
        %dma_start3A_938 = arith.constant 0 : i32
        %dma_start3A_939 = tpu.memref_slice %arg2[%dma_start3A_938, %mul3A_932] : memref<2x3200000xi32, #tpu.memory_space<hbm>> -> memref<2x2560xi32, #tpu.memory_space<hbm>>
        tpu.enqueue_dma source(%dma_start3A_939 : memref<2x2560xi32, #tpu.memory_space<hbm>>) target(%arg14 : memref<2x2560xi32, #tpu.memory_space<vmem>>) target_semaphore(%run_scoped3A : memref<!tpu.dma_semaphore, #tpu.memory_space<semaphore_mem>>)
        %dma_wait3A_940 = arith.constant 0 : i32
        %dma_wait3A_941 = tpu.memref_slice %arg2[%dma_wait3A_940, %mul3A_932] : memref<2x3200000xi32, #tpu.memory_space<hbm>> -> memref<2x2560xi32, #tpu.memory_space<hbm>>
        %dma_wait3A_942 = arith.constant 0 : i32
        %dma_wait3A_943 = tpu.memref_slice %arg2[%dma_wait3A_942, %mul3A_932] : memref<2x3200000xi32, #tpu.memory_space<hbm>> -> memref<2x2560xi32, #tpu.memory_space<hbm>>
        tpu.wait_dma2 semaphore(%run_scoped3A : memref<!tpu.dma_semaphore, #tpu.memory_space<semaphore_mem>>) src(%dma_wait3A_943 : memref<2x2560xi32, #tpu.memory_space<hbm>>) dst(%arg14 : memref<2x2560xi32, #tpu.memory_space<vmem>>)
        tpu.yield
      }) : () -> ()
      "tpu.region"() ({
        %run_scoped3A = tpu.sem_alloc : memref<!tpu.dma_semaphore, #tpu.memory_space<semaphore_mem>>
        %dma_start3A_936 = tpu.memref_slice %arg3[%mul3A_932] : memref<3200000xf32, #tpu.memory_space<hbm>> -> memref<2560xf32, #tpu.memory_space<hbm>>
        %dma_start3A_937 = tpu.memref_slice %arg3[%mul3A_932] : memref<3200000xf32, #tpu.memory_space<hbm>> -> memref<2560xf32, #tpu.memory_space<hbm>>
        tpu.enqueue_dma source(%dma_start3A_937 : memref<2560xf32, #tpu.memory_space<hbm>>) target(%arg16 : memref<2560xf32, #tpu.memory_space<vmem>>) target_semaphore(%run_scoped3A : memref<!tpu.dma_semaphore, #tpu.memory_space<semaphore_mem>>)
        %dma_wait3A_938 = tpu.memref_slice %arg3[%mul3A_932] : memref<3200000xf32, #tpu.memory_space<hbm>> -> memref<2560xf32, #tpu.memory_space<hbm>>
        %dma_wait3A_939 = tpu.memref_slice %arg3[%mul3A_932] : memref<3200000xf32, #tpu.memory_space<hbm>> -> memref<2560xf32, #tpu.memory_space<hbm>>
        tpu.wait_dma2 semaphore(%run_scoped3A : memref<!tpu.dma_semaphore, #tpu.memory_space<semaphore_mem>>) src(%dma_wait3A_939 : memref<2560xf32, #tpu.memory_space<hbm>>) dst(%arg16 : memref<2560xf32, #tpu.memory_space<vmem>>)
        tpu.yield
      }) : () -> ()
      %parallel_loop3A_933 = arith.constant 0 : i32
      %parallel_loop3A_934 = arith.constant 2560 : i32
      %parallel_loop3A_935 = arith.constant 16 : i32
      scf.for %parallel_loop3A_936 = %parallel_loop3A_933 to %parallel_loop3A_934 step %parallel_loop3A_935  : i32 {
        %parallel_loop3A_937 = arith.constant 0 : i32
        %parallel_loop3A_938 = arith.index_cast %parallel_loop3A_937 : i32 to index
        %parallel_loop3A_939 = arith.index_cast %parallel_loop3A_936 : i32 to index
        %parallel_loop3A_940 = tpu.vector_load %arg14[%parallel_loop3A_938, %parallel_loop3A_939] {strides = array<i32>} : memref<2x2560xi32, #tpu.memory_space<vmem>>, vector<16xi32>,
        %parallel_loop3A_941 = tpu.vector_load_idx %arg8[%parallel_loop3A_940] : memref<100000xi32, #tpu.memory_space<vmem>>[vector<16xi32>], vector<16xi32>,
        %parallel_loop3A_942 = tpu.vector_load_idx %arg9[%parallel_loop3A_941] : memref<256xf32, #tpu.memory_space<vmem>>[vector<16xi32>], vector<16xf32>,
        %parallel_loop3A_943 = arith.index_cast %parallel_loop3A_936 : i32 to index
        %parallel_loop3A_944 = tpu.vector_load %arg16[%parallel_loop3A_943] {strides = array<i32>} : memref<2560xf32, #tpu.memory_space<vmem>>, vector<16xf32>,
        %parallel_loop3A_945 = arith.mulf %parallel_loop3A_942, %parallel_loop3A_944 : vector<16xf32>
        %parallel_loop3A_946 = arith.index_cast %parallel_loop3A_936 : i32 to index
        %parallel_loop3A_947 = tpu.vector_load %arg18[%parallel_loop3A_946] {strides = array<i32>} : memref<2560xf32, #tpu.memory_space<vmem>>, vector<16xf32>,
        tpu.vector_store %arg18[%parallel_loop3A_946], %parallel_loop3A_945 {strides = array<i32>} : memref<2560xf32, #tpu.memory_space<vmem>>, vector<16xf32>,
      } {sc.loop_unroll_factor = 16 : i64, sc.parallel_access}
      "tpu.region"() ({
        %run_scoped3A = tpu.sem_alloc : memref<!tpu.dma_semaphore, #tpu.memory_space<semaphore_mem>>
        %dma_start3A_936 = tpu.memref_slice %arg6[%mul3A_932] : memref<3200000xf32, #tpu.memory_space<hbm>> -> memref<2560xf32, #tpu.memory_space<hbm>>
        %dma_start3A_937 = tpu.memref_slice %arg6[%mul3A_932] : memref<3200000xf32, #tpu.memory_space<hbm>> -> memref<2560xf32, #tpu.memory_space<hbm>>
        tpu.enqueue_dma source(%arg18 : memref<2560xf32, #tpu.memory_space<vmem>>) target(%dma_start3A_937 : memref<2560xf32, #tpu.memory_space<hbm>>) target_semaphore(%run_scoped3A : memref<!tpu.dma_semaphore, #tpu.memory_space<semaphore_mem>>)
        %dma_wait3A_938 = tpu.memref_slice %arg6[%mul3A_932] : memref<3200000xf32, #tpu.memory_space<hbm>> -> memref<2560xf32, #tpu.memory_space<hbm>>
        %dma_wait3A_939 = tpu.memref_slice %arg6[%mul3A_932] : memref<3200000xf32, #tpu.memory_space<hbm>> -> memref<2560xf32, #tpu.memory_space<hbm>>
        tpu.wait_dma2 semaphore(%run_scoped3A : memref<!tpu.dma_semaphore, #tpu.memory_space<semaphore_mem>>) src(%arg18 : memref<2560xf32, #tpu.memory_space<vmem>>) dst(%dma_wait3A_939 : memref<2560xf32, #tpu.memory_space<hbm>>)
        tpu.yield
      }) : () -> ()
    } else {
    }
    %dma_wait3A_925 = arith.constant 0 : i32
    %dma_wait3A_926 = tpu.memref_slice %arg6[%dma_wait3A_925] : memref<3200000xf32, #tpu.memory_space<hbm>> -> memref<2560xf32, #tpu.memory_space<hbm>>
    %dma_wait3A_927 = arith.constant 0 : i32
    %dma_wait3A_928 = tpu.memref_slice %arg6[%dma_wait3A_927] : memref<3200000xf32, #tpu.memory_space<hbm>> -> memref<2560xf32, #tpu.memory_space<hbm>>
    tpu.wait_dma2 semaphore(%arg21 : memref<!tpu.dma_semaphore, #tpu.memory_space<semaphore_mem>>) src(%arg17 : memref<2560xf32, #tpu.memory_space<vmem>>) dst(%dma_wait3A_928 : memref<2560xf32, #tpu.memory_space<hbm>>)
    return
  }
}

</mosaic_0001>

<sc_bundles>
// kernel: kernel.3.cloned.1.call-start
scs
__scs_entry_jumppad:
0x0: {  	(pc) =	sbr.rel $0x88, $3  }
0x1: {  	(tag) =	ssettag $0x0;
	lr =	simm.s32 $0x1  }
0x2: {  	[smem:$0x3F9D] =	sst lr;
	_ =	strace $0xD0000000  }
0x3: {  	_ = 	snop  }
0x4: {  	_ = 	snop  }
0x5: {  	_ = 	snop  }
0x6: {  	_ = 	snop  }
0x7: {  	_ = 	snop  }
__scs_overlays_trampoline_lowered:
0x8: {  	[smem:$0x3FAC] =	sst s0  }
0x9: {  	[smem:$0x3FAD] =	sst s1  }
0xa: {  	[smem:$0x3FAE] =	sst s2  }
0xb: {  	[smem:$0x3FAF] =	sst s3  }
0xc: {  	[smem:$0x3FB0] =	sst s4  }
0xd: {  	[smem:$0x3FB1] =	sst s5  }
0xe: {  	[smem:$0x3FB2] =	sst s6  }
0xf: {  	[smem:$0x3FB3] =	sst s7  }
0x10: {  	[smem:$0x3FB4] =	sst s8  }
0x11: {  	[smem:$0x3FB5] =	sst s9;
	s0 =	simm.s32 @!p0 $0x0  }
0x12: {  	s1 =	sld [smem:$0x3F9B];
	s0 =	simm.s32 @p0 $0x1  }
0x13: {  	[smem:$0x3FB6] =	sst s0;
	s0 =	simm.s32 @!p1 $0x0  }
0x14: {  	s2 =	sld [smem:$0x3F9A];
	s0 =	simm.s32 @p1 $0x1  }
0x15: {  	[smem:$0x3FB7] =	sst s0;
	s0 =	simm.s32 @!p2 $0x0  }
0x16: {  	s3 =	sld [smem:$0x3FDB];
	s0 =	simm.s32 @p2 $0x1  }
0x17: {  	s4 =	simm.s32 $0x1BF5;
	[smem:$0x3FB9] =	sst s0  }
0x18: {  	s0 =	sld [smem:$0x3F9C];
	_ =	swait.ge [sflag:s4], $0x0  }
0x19: {  	s7 =	sld [smem:$0x3F9D]  }
0x1a: {  	s8 =	sadd.s32 $0xFFFFE003, lr  }
0x1b: {  	s9 =	sadd.s32 $0xFFFFFEF7, lr;
	s5 =	simm.s32 $0xFFFFFFFF;
	p2 =	slt.u32 s8, $0xFFFFF086  }
0x1c: {  	p1 =	slt.u32 s9, $0xF7A;
	s5 =	simm.s32 @!p2 $0x0  }
0x1d: {  	s5 =	simm.s32 @p1 $0x1;
	p0 =	seq.s32 s7, s2  }
0x1e: {  	s7 =	smul.u32 @!p0 $0xF7A, s2;
	p2 =	seq.s32 @!p0 s5, $0x0  }
0x1f: {  	s9 =	smul.u32 $0xF7A, s1;
	s8 =	simm.s32 @!p0 $0x1BF5;
	p2 =	por !p2, p0  }
0x20: {  	[sflag:s8] =	ssyncset.s32 @!p0 $0xFFFFF086;
	s6 =	sadd.s32 @!p0 s3, s7;
	s7 =	simm.s32 @!p0 $0x108  }
0x21: {  	s3 =	sadd.s32 s3, s9;
	s6 =	sadd.s32 @!p0 $0x88, s6;
	s7 =	simm.s32 @p2 $0x1082  }
0x22: {  	[simem:s7], [sflag:s8] =	dma.local @!p0 [hbm:s6], $0xF7A  }
0x23: {  	s9 =	sor.u32 $0xD0000000, s2;
	s6 =	simm.s32 $0x108;
	_ =	swait.ge @!p0 [sflag:s8], $0x0  }
0x24: {  	s3 =	sadd.s32 $0x88, s3;
	s6 =	simm.s32 @!p1 $0x1082;
	[sflag:s4] =	ssyncset.s32 $0xFFFFF086  }
0x25: {  	[simem:s6], [sflag:s4] =	dma.local [hbm:s3], $0xF7A  }
0x26: {  	[smem:$0x3F9D] =	sst s1;
	(tag) =	ssettag s2;
	_ =	strace s9  }
0x27: {  	s1 =	sld [smem:$0x3FAD]  }
0x28: {  	s2 =	sld [smem:$0x3FAE]  }
0x29: {  	s4 =	sld [smem:$0x3FB0]  }
0x2a: {  	p0 =	seq.s32 s5, $0x0;
	s5 =	sld [smem:$0x3FB1]  }
0x2b: {  	s6 =	sld [smem:$0x3FB2]  }
0x2c: {  	s7 =	sld [smem:$0x3FB3]  }
0x2d: {  	s3 =	simm.s32 $0x108;
	s8 =	sld [smem:$0x3FB4]  }
0x2e: {  	s3 =	simm.s32 @!p0 $0x1082;
	s9 =	sld [smem:$0x3FB5]  }
0x2f: {  	lr =	sadd.s32 s0, s3;
	s0 =	sld [smem:$0x3FAC]  }
0x30: {  	s3 =	sld [smem:$0x3FAF]  }
0x31: {  	[smem:$0x3FB8] =	sst s10  }
0x32: {  	s10 =	sld [smem:$0x3FB6];
	_ =	sdelay $0x3  }
0x33: {  	p0 =	seq.s32 s10, $0x1;
	s10 =	sld [smem:$0x3FB8];
	_ =	sdelay $0x3  }
0x34: {  	[smem:$0x3FB8] =	sst s10  }
0x35: {  	s10 =	sld [smem:$0x3FB7];
	_ =	sdelay $0x3  }
0x36: {  	p1 =	seq.s32 s10, $0x1;
	s10 =	sld [smem:$0x3FB8];
	_ =	sdelay $0x3  }
0x37: {  	[smem:$0x3FB8] =	sst s10  }
0x38: {  	s10 =	sld [smem:$0x3FB9]  }
0x39: {  	_ = 	snop;
	(pc) =	sbr.ind lr, $3  }
0x3a: {  	_ = 	snop  }
0x3b: {  	_ = 	snop  }
0x3c: {  	p2 =	seq.s32 s10, $0x1;
	s10 =	sld [smem:$0x3FB8]  }
0x3d: {  	_ =	shalt  }
0x3e: {  	_ =	shalt  }
0x3f: {  	_ =	shalt  }
0x40: {  	_ =	shalt  }
0x41: {  	_ =	shalt  }
0x42: {  	_ =	shalt  }
0x43: {  	_ =	shalt  }
0x44: {  	_ =	shalt  }
0x45: {  	_ =	shalt  }
0x46: {  	_ =	shalt  }
0x47: {  	_ =	shalt  }
0x48: {  	_ =	shalt  }
0x49: {  	_ =	shalt  }
0x4a: {  	_ =	shalt  }
0x4b: {  	_ =	shalt  }
0x4c: {  	_ =	shalt  }
0x4d: {  	_ =	shalt  }
0x4e: {  	_ =	shalt  }
0x4f: {  	_ =	shalt  }
0x50: {  	_ =	shalt  }
0x51: {  	_ =	shalt  }
0x52: {  	_ =	shalt  }
0x53: {  	_ =	shalt  }
0x54: {  	_ =	shalt  }
0x55: {  	_ =	shalt  }
0x56: {  	_ =	shalt  }
0x57: {  	_ =	shalt  }
0x58: {  	_ =	shalt  }
0x59: {  	_ =	shalt  }
0x5a: {  	_ =	shalt  }
0x5b: {  	_ =	shalt  }
0x5c: {  	_ =	shalt  }
0x5d: {  	_ =	shalt  }
0x5e: {  	_ =	shalt  }
0x5f: {  	_ =	shalt  }
0x60: {  	_ =	shalt  }
0x61: {  	_ =	shalt  }
0x62: {  	_ =	shalt  }
0x63: {  	_ =	shalt  }
0x64: {  	_ =	shalt  }
0x65: {  	_ =	shalt  }
0x66: {  	_ =	shalt  }
0x67: {  	_ =	shalt  }
0x68: {  	_ =	shalt  }
0x69: {  	_ =	shalt  }
0x6a: {  	_ =	shalt  }
0x6b: {  	_ =	shalt  }
0x6c: {  	_ =	shalt  }
0x6d: {  	_ =	shalt  }
0x6e: {  	_ =	shalt  }
0x6f: {  	_ =	shalt  }
0x70: {  	_ =	shalt  }
0x71: {  	_ =	shalt  }
0x72: {  	_ =	shalt  }
0x73: {  	_ =	shalt  }
0x74: {  	_ =	shalt  }
0x75: {  	_ =	shalt  }
0x76: {  	_ =	shalt  }
0x77: {  	_ =	shalt  }
0x78: {  	_ =	shalt  }
0x79: {  	_ =	shalt  }
0x7a: {  	_ =	shalt  }
0x7b: {  	_ =	shalt  }
0x7c: {  	_ =	shalt  }
0x7d: {  	_ =	shalt  }
0x7e: {  	_ =	shalt  }
0x7f: {  	_ =	shalt  }
0x80: {  	_ =	shalt  }
0x81: {  	_ =	shalt  }
0x82: {  	_ =	shalt  }
0x83: {  	_ =	shalt  }
0x84: {  	_ =	shalt  }
0x85: {  	_ =	shalt  }
0x86: {  	_ =	shalt  }
0x87: {  	_ =	shalt  }
.Lfunc_end0:
.L_simem_size_0:
called_computation_lowered:
.L_overlay_start_0:
0x88: {  	s2 =	sld [smem:$0x3FD9]  }
0x89: {  	s3 =	sld [smem:$0x3FFE];
	_ =	sdelay $0x1  }
0x8a: {  	s1 =	srdreg.scid  }
0x8b: {  	s0 =	sand.u32 $0x1, s1  }
0x8c: {  	s18 =	sshll.u32 s0, $0xA;
	s2 =	sadd.s32 s3, s2  }
0x8d: {  	s2 =	sadd.s32 s2, s18  }
0x8e: {  	[smem:$0x3FC4] =	sst s2  }
0x8f: {  	_ = 	snop  }
0x90: {  	s2 =	sld [smem:$0x3FC9]  }
0x91: {  	s19 =	sld [smem:$0x3FC8]  }
0x92: {  	s4 =	sld [smem:$0x3FC7]  }
0x93: {  	s5 =	sld [smem:$0x3FC6]  }
0x94: {  	s6 =	sld [smem:$0x3FD0];
	(tm) =	ssettm $0x1  }
0x95: {  	s7 =	sld [smem:$0x3FFB];
	_ =	sdelay $0x3  }
0x96: {  	_ =	strace s7  }
0x97: {  	s7 =	sld [smem:$0x3FFC];
	_ =	sdelay $0x3  }
0x98: {  	_ =	strace s7  }
0x99: {  	s7 =	sld [smem:$0x3FFD];
	_ =	sdelay $0x3  }
0x9a: {  	_ =	strace s7  }
0x9b: {  	_ =	strace $0x8FFFFFFF  }
0x9c: {  	s20 =	sld [smem:$0x3FDB];
	_ =	sdelay $0x1  }
0x9d: {  	s8 =	simm.s32 $_scs_section_size  }
0x9e: {  	s9 =	simm.s32 $_size__tile_overlayer_lowered;
	s10 =	simm.s32 $_tile_overlayer_lowered  }
0x9f: {  	s23 =	simm.s32 $0x1BFF;
	s22 =	sshll.u32 s10, $0x1;
	s7 =	sadd.s32 s8, s20  }
0xa0: {  	s11 =	simm.s32 $0x0;
	s21 =	sshll.u32 s9, $0x1;
	s9 =	sadd.s32 s22, s7  }
0xa1: {  	[timem:s11], [sflag:s23] =	dma.local [hbm:s9], s21  }
0xa2: {  	_ =	swait.ge [sflag:s23], s21  }
0xa3: {  	s8 =	ssub.s32 $0x0, s21;
	[sflag:s23] =	ssyncset.done $0x0  }
0xa4: {  	[sflag:s23] =	ssyncadd.s32 s8;
	_ =	sdelay $0x1  }
0xa5: {  	s24 =	simm.s32 $0x1B8B  }
0xa6: {  	_ =	swait.ge [sflag:s24], $0x1  }
0xa7: {  	[sflag:s24] =	ssyncset.done $0x0  }
0xa8: {  	s25 =	simm.s32 $0x1B8E;
	[sflag:s24] =	ssyncadd.s32 $0xFFFFFFFF  }
0xa9: {  	s26 =	simm.s32 $execute0_lowered;
	[smem:$0x3FD2] =	sst s25  }
0xaa: {  	s8 =	sshll.u32 s26, $0x1;
	_ =	strace $0x80000046;
	[dreg:$0x1] =	wrdreg $0xFFFFFFFF  }
0xab: {  	s28 =	simm.s32 $_size_execute0_lowered;
	s7 =	sadd.s32 s7, s8;
	[dreg:$0x0] =	wrdreg $0x0  }
0xac: {  	s8 =	sshll.u32 s28, $0x1;
	[dreg:$0x2] =	wrdreg s7  }
0xad: {  	[dreg:$0x3] =	wrdreg s8  }
0xae: {  	[dreg:$0x4] =	wrdreg $0xC0  }
0xaf: {  	_ =	task [dreg:s11], $0x5FFFF  }
0xb0: {  	[dreg:$0x1] =	wrdreg $0xFFFFFFFF  }
0xb1: {  	[dreg:$0x0] =	wrdreg $0x60  }
0xb2: {  	[dreg:$0x2] =	wrdreg s2  }
0xb3: {  	[dreg:$0x3] =	wrdreg s5  }
0xb4: {  	[dreg:$0x4] =	wrdreg s19  }
0xb5: {  	[dreg:$0x5] =	wrdreg s4  }
0xb6: {  	[dreg:$0x6] =	wrdreg s6  }
0xb7: {  	[dreg:$0x7] =	wrdreg $0x0  }
0xb8: {  	[dreg:$0x8] =	wrdreg $0x9  }
0xb9: {  	_ =	task.clear_ibuf [dreg:s11], $0x9FFFF;
	_ =	strace $0x90000046  }
0xba: {  	s29 =	simm.s32 $0x9;
	_ =	strace $0x80000048  }
0xbb: {  	_ =	swait.ge [sflag:s29], $0x1  }
0xbc: {  	[sflag:s29] =	ssyncadd.s32 $0xFFFFFFFF  }
0xbd: {  	_ =	strace $0x90000048  }
0xbe: {  	_ =	sfence  }
0xbf: {  	s30 =	sld [smem:$0x0];
	_ =	sdelay $0x2  }
0xc0: {  	s31 =	sshll.u32 s1, $0xD;
	s1 =	sshrl.u32 s1, $0x2  }
0xc1: {  	s3 =	sand.u32 $0x4000, s31;
	s1 =	sadd.s32 s1, s30  }
0xc2: {  	s0 =	sor.u32 s3, s0;
	s1 =	sshll.u32 s1, $0x11  }
0xc3: {  	s0 =	sor.u32 s1, s0  }
0xc4: {  	s0 =	sadd.s32 $0x8F2B, s0  }
0xc5: {  	[sflag:s0] =	ssyncadd.remote.s32 $0x1  }
0xc6: {  	_ =	sfence.sel $0xFFFF  }
0xc7: {  	[dreg:$0x0] =	wrdreg $0xFFFFFFFF;
	(pc) =	sbr.abs _section_cstart, $3  }
0xc8: {  	[dreg:$0x1] =	wrdreg $0xFFFFFFFF  }
0xc9: {  	_ =	task.clear_ibuf [dreg:s11], $0x2FFFF;
	_ =	strace $0x9FFFFFFF  }
0xca: {  	(tm) =	ssettm $0x7FFFFFFF  }
0xcb: {  	_ =	shalt  }
tec
execute0_lowered:
.L_overlay_start_1:
0x0: {  	(tag) =	ssettag $0x1  }
0x1: {  	s0 =	rddreg [dreg:$0x0]  }
0x2: {  	s1 =	rddreg [dreg:$0x1]  }
0x3: {  	s4 =	rddreg [dreg:$0x4];
	s2 =	srdreg.scid  }
0x4: {  	s3 =	stileid.u32;
	s12 =	rddreg [dreg:$0x5];
	s7 =	simm.s32 $0x0  }
0x5: {  	s28 =	simm.s32 $0x1A970;
	s29 =	simm.s32 $0x1870;
	s30 =	simm.s32 $0x1  }
0x6: {  	s31 =	simm.s32 $0x19F70;
	s16 =	simm.s32 $0x2;
	s17 =	simm.s32 $0x1F070  }
0x7: {  	s18 =	simm.s32 $0x3;
	s2 =	sand.u32 $0x1, s2;
	s5 =	sshll.u32 s3, $0x1  }
0x8: {  	[smem:$0x7FF] =	sst s7;
	p0 =	sne.s32 s3, $0x0;
	s8 =	sor.u32 s2, s5  }
0x9: {  	s3 =	simm.s32 $0x0;
	s2 =	ssub.s32 $0x2, s2;
	s5 =	smul.u32 $0xA00, s8  }
0xa: {  	_ =	strace $0x80000047;
	s6 =	sshrl.u32 s2, $0x1;
	s9 =	smul.u32 $0x280, s8  }
0xb: {  	s19 =	smul.u32 $0x140, s8;
	s13 =	sor.u32 $0x40, s8;
	s14 =	sor.u32 $0x60, s8  }
0xc: {  	s2 =	ssub.s32 s2, s6;
	s10 =	sadd.s32 $0x14000, s5;
	s9 =	sadd.s32 s0, s9  }
0xd: {  	s6 =	sadd.s32 s1, s19;
	s23 =	sshrl.u32 s5, $0x3;
	s5 =	sor.u32 $0x30C000, s5  }
0xe: {  	s2 =	smax.u32 s2, $0x1;
	[dreg:$0x7] =	wrdreg s9;
	s20 =	sshrl.u32 s10, $0x2  }
0xf: {  	s10 =	sshrl.u32 s10, $0x3;
	[dreg:$0x8] =	wrdreg s6;
	s6 =	sadd.s32 s4, s23  }
0x10: {  	s24 =	sshrl.u32 s5, $0x2;
	[dreg:$0xf] =	wrdreg s2;
	s21 =	sadd.s32 s0, s20  }
0x11: {  	s5 =	sshrl.u32 s5, $0x3;
	s22 =	sadd.s32 s1, s10;
	[dreg:$0x9] =	wrdreg s21  }
0x12: {  	s23 =	simm.s32 $0x1DC70;
	s6 =	sadd.s32 $0x5F000, s6;
	[dreg:$0xa] =	wrdreg s22  }
.Ltmp0:
0x13: {  	s25 =	sadd.s32 s0, s24;
	[dreg:$0xb] =	wrdreg s6;
	(pc) =	sbr.rel .LBB2_1-.Ltmp0, $4  }
0x14: {  	v0 =	vlaneseq.u32;
	s26 =	sadd.s32 s1, s5;
	s5 =	sadd.s32 s4, s5;
	[dreg:$0xc] =	wrdreg s25  }
0x15: {  	v5 =	vmul.u32 $0xFFFFFFFF, v0;
	s20 =	simm.s32 $0x1AA70;
	s24 =	simm.s32 $0x6;
	[dreg:$0xd] =	wrdreg s26  }
0x16: {  	v1 =	vimm.s32 $0x0;
	v2 =	vimm.s32 $0xFFFFFFFF;
	[dreg:$0xe] =	wrdreg s5;
	s21 =	simm.s32 $0x1D270;
	s22 =	simm.s32 $0x1BE70  }
0x17: {  	v3 =	vadd.s32 $0xFFFFFFFF, v0;
	v4 =	vadd.s32 $0x1, v0;
	v5 =	vadd.s32 $0x7FF, v5;
	s25 =	simm.s32 $0x1A070;
	s26 =	simm.s32 $0x1A870;
	s5 =	simm.s32 $0x1E670  }
.LBB2_16:
0x18: {  	_ =	swait.ge [sflag:s18], $0xA00  }
0x19: {  	s3 =	sadd.s32 $0x1, s3;
	s2 =	rddreg [dreg:$0xf]  }
0x1a: {  	p1 =	sne.s32 s3, s2  }
.Ltmp1:
0x1b: {  	_ = 	snop;
	(pc) =	sbr.rel @!p1 .LBB2_17-.Ltmp1, $3  }
0x1c: {  	_ =	sdelay $0x1  }
0x1d: {  	[sflag:s18] =	ssyncset.done $0x0  }
0x1e: {  	[sflag:s18] =	ssyncadd.s32 $0xFFFFF600  }
.LBB2_1:
0x1f: {  	s2 =	rddreg [dreg:$0x7]  }
0x20: {  	s11 =	rddreg [dreg:$0x8]  }
0x21: {  	[tilespmem:s20], [sflag:$0x1] =	stream.linear.gather [hbm4b:s2+s7], $0x1400, $0x38;
	[tilespmem:$0x1FA70] =	vst v63  }
0x22: {  	s15 =	rddreg [dreg:$0x9]  }
0x23: {  	[tilespmem:s21], [sflag:$0x1] =	stream.linear.gather [hbm4b:s11+s7], $0xA00, $0x38;
	[tilespmem:$0x1FA70] =	vst v63  }
0x24: {  	s19 =	rddreg [dreg:$0xa]  }
0x25: {  	[tilespmem:s22], [sflag:$0x2] =	stream.linear.gather [hbm4b:s15+s7], $0x1400, $0x38;
	[tilespmem:$0x1FA70] =	vst v63  }
0x26: {  	s6 =	sshrl.u32 @!p0 s12, $0x3;
	s9 =	simm.s32 @!p0 $0x1C05;
	s10 =	rddreg [dreg:$0x2]  }
0x27: {  	[tilespmem:s23], [sflag:$0x2] =	stream.linear.gather [hbm4b:s19+s7], $0xA00, $0x38;
	[tilespmem:$0x1FA70] =	vst v63  }
0x28: {  	[spmem:s6], [sflag:s9] =	dma.local @!p0 [hbm:s10], $0x30E0  }
0x29: {  	s6 =	rddreg [dreg:$0x3]  }
0x2a: {  	[tilespmem:s25], [sflag:$0x6] =	stream.linear.gather [hbm4b:s6+s7], $0x800, $0x38;
	[tilespmem:$0x1FA70] =	vst v63  }
0x2b: {  	_ =	swait.ge [sflag:s24], $0x800  }
0x2c: {  	[sflag:s24] =	ssyncset.done $0x0  }
0x2d: {  	[sflag:s24] =	ssyncadd.s32 $0xFFFFF800  }
0x2e: {  	[tilespmem:$0x1A870] =	vst v1  }
0x2f: {  	[tilespmem:$0x1A970] =	vst v2  }
0x30: {  	[tilespmem:$0x1A880] =	vst v1  }
0x31: {  	[tilespmem:$0x1A980] =	vst v2  }
0x32: {  	[tilespmem:$0x1A890] =	vst v1  }
0x33: {  	[tilespmem:$0x1A990] =	vst v2  }
0x34: {  	[tilespmem:$0x1A8A0] =	vst v1  }
0x35: {  	[tilespmem:$0x1A9A0] =	vst v2  }
0x36: {  	[tilespmem:$0x1A8B0] =	vst v1  }
0x37: {  	[tilespmem:$0x1A9B0] =	vst v2  }
0x38: {  	[tilespmem:$0x1A8C0] =	vst v1  }
0x39: {  	[tilespmem:$0x1A9C0] =	vst v2  }
0x3a: {  	[tilespmem:$0x1A8D0] =	vst v1  }
0x3b: {  	[tilespmem:$0x1A9D0] =	vst v2  }
0x3c: {  	[tilespmem:$0x1A8E0] =	vst v1  }
0x3d: {  	[tilespmem:$0x1A9E0] =	vst v2  }
0x3e: {  	[tilespmem:$0x1A8F0] =	vst v1  }
0x3f: {  	[tilespmem:$0x1A9F0] =	vst v2  }
0x40: {  	[tilespmem:$0x1A900] =	vst v1  }
0x41: {  	[tilespmem:$0x1AA00] =	vst v2  }
0x42: {  	[tilespmem:$0x1A910] =	vst v1  }
0x43: {  	[tilespmem:$0x1AA10] =	vst v2  }
0x44: {  	[tilespmem:$0x1A920] =	vst v1  }
0x45: {  	[tilespmem:$0x1AA20] =	vst v2  }
0x46: {  	[tilespmem:$0x1A930] =	vst v1  }
0x47: {  	v6 =	vadd.s32 s7, v3;
	[tilespmem:$0x1AA30] =	vst v2  }
0x48: {  	vm0 =	vgt.s32 v6, $0x0;
	[tilespmem:$0x1A940] =	vst v1  }
0x49: {  	v7 =	vadd.s32 s7, v4;
	v6 =	vnsel vm0, $0x0, v6;
	[tilespmem:$0x1AA40] =	vst v2  }
0x4a: {  	vm0 =	vlt.s32 v7, $0x7FF;
	[tilespmem:$0x1A950] =	vst v1  }
0x4b: {  	v7 =	vnsel vm0, $0x7FF, v7;
	[tilespmem:$0x1AA50] =	vst v2  }
0x4c: {  	[tilespmem:$0x1A960] =	vst v1  }
0x4d: {  	[tilespmem:$0x1AA60] =	vst v2  }
0x4e: {  	v8 =	vld.idx.msk [tilespmem:v6+s25+$0x0], $0xffff  }
0x4f: {  	v6 =	vld [tilespmem:s25+$0x0]  }
0x50: {  	v7 =	vld.idx.msk [tilespmem:v7+s25+$0x0], $0xffff;
	_ =	sdelay $0x2  }
0x51: {  	v9 =	vmov s7  }
0x52: {  	vm1 =	veq.s32 v9, v0;
	vm0 =	vne.s32 v6, v8  }
0x53: {  	vm2 =	veq.s32 v9, v5;
	s6 =	simm.s32 $0x10;
	vm0 =	vmor vm1, vm0;
	vm1 =	vne.s32 v6, v7  }
0x54: {  	v7 =	vadd.s32 s6, v3;
	vm1 =	vmor vm2, vm1  }
0x55: {  	v8 =	vadd.s32 s6, v4;
	vm3 =	vgt.s32 v7, $0x0  }
0x56: {  	s11 =	simm.s32 $0x20;
	s10 =	simm.s32 $0x0;
	s9 =	simm.s32 $0x1A070;
	vm2 =	vlt.s32 v8, $0x7FF;
	v7 =	vnsel vm3, $0x0, v7  }
.LBB2_2:
0x57: {  	p1 =	sne.s32 s11, $0x7F0;
	v8 =	vnsel vm2, $0x7FF, v8  }
0x58: {  	v9 =	vor.u32 s10, v0;
	s10 =	smov.u32 s6;
	s6 =	smov.u32 s11  }
0x59: {  	[tilespmem:v6+s26+$0x0] =	vst.idx.msk vm0, v9  }
0x5a: {  	[tilespmem:v6+s28+$0x0] =	vst.idx.msk vm1, v9  }
0x5b: {  	v7 =	vld.idx.msk [tilespmem:v7+s25+$0x0], $0xffff  }
0x5c: {  	s9 =	sadd.s32 $0x10, s9;
	v8 =	vld.idx.msk [tilespmem:v8+s25+$0x0], $0xffff  }
0x5d: {  	v6 =	vld [tilespmem:s9+$0x0];
	_ =	sdelay $0x3  }
0x5e: {  	v9 =	vmov s10  }
.Ltmp2:
0x5f: {  	vm1 =	veq.s32 v9, v0;
	vm0 =	vne.s32 v6, v7;
	(pc) =	sbr.rel @p1 .LBB2_2-.Ltmp2, $4  }
0x60: {  	vm2 =	veq.s32 v9, v5;
	vm0 =	vmor vm1, vm0;
	vm1 =	vne.s32 v6, v8  }
0x61: {  	v7 =	vadd.s32 s11, v3;
	vm1 =	vmor vm2, vm1  }
0x62: {  	v8 =	vadd.s32 s11, v4;
	vm2 =	vgt.s32 v7, $0x0  }
0x63: {  	s11 =	sadd.s32 $0x10, s11;
	v7 =	vnsel vm2, $0x0, v7;
	vm2 =	vlt.s32 v8, $0x7FF  }
0x64: {  	_ =	sdelay $0x3  }
0x65: {  	v8 =	vnsel vm2, $0x7FF, v8;
	v9 =	vor.u32 s10, v0  }
0x66: {  	[tilespmem:v6+s26+$0x0] =	vst.idx.msk vm0, v9  }
0x67: {  	[tilespmem:v6+s28+$0x0] =	vst.idx.msk vm1, v9  }
0x68: {  	s9 =	sadd.s32 $0x10, s9;
	v6 =	vld.idx.msk [tilespmem:v7+s25+$0x0], $0xffff  }
0x69: {  	v7 =	vld [tilespmem:s9+$0x0]  }
0x6a: {  	v8 =	vld.idx.msk [tilespmem:v8+s25+$0x0], $0xffff;
	_ =	sdelay $0x2  }
0x6b: {  	v18 =	vmov s6  }
0x6c: {  	vm9 =	veq.s32 v18, v0;
	vm8 =	vne.s32 v7, v6  }
0x6d: {  	vm11 =	veq.s32 v18, v5;
	vm0 =	vmor vm9, vm8;
	vm10 =	vne.s32 v7, v8  }
0x6e: {  	vm1 =	vmor vm11, vm10;
	_ =	sdelay $0x3  }
0x6f: {  	v6 =	vor.u32 s6, v0  }
0x70: {  	[tilespmem:v7+s26+$0x0] =	vst.idx.msk vm0, v6  }
0x71: {  	[tilespmem:v7+s28+$0x0] =	vst.idx.msk vm1, v6  }
0x72: {  	v6 =	vld [tilespmem:$0x1A970]  }
0x73: {  	v7 =	vld [tilespmem:$0x1A870]  }
0x74: {  	v20 =	vld [tilespmem:$0x1A990]  }
0x75: {  	v11 =	vld [tilespmem:$0x1A890];
	_ =	sdelay $0x3  }
0x76: {  	v6 =	vsub.s32 v6, v7  }
0x77: {  	v19 =	vld [tilespmem:$0x1A880];
	v9 =	vsub.s32 v20, v11;
	v13 =	vadd.s32 $0x1, v6  }
0x78: {  	v6 =	vld [tilespmem:$0x1A980];
	v8 =	vadd.s32 $0x1, v9;
	v7 =	vcvt.s32.f32 v13  }
0x79: {  	v14 =	vcvt.s32.f32 v8  }
0x7a: {  	v10 =	vshra.s32 v7, $0x1;
	v7 =	vmul.f32 $5.000000000e-01, v7  }
0x7b: {  	v15 =	vshra.s32 v14, $0x1;
	v14 =	vmul.f32 $5.000000000e-01, v14;
	v12 =	vsub.s32 $0x5F3759DF, v10  }
0x7c: {  	v15 =	vsub.s32 $0x5F3759DF, v15;
	v10 =	vmul.f32 v12, v7  }
0x7d: {  	v6 =	vsub.s32 v6, v19;
	v17 =	vmul.f32 v15, v14  }
0x7e: {  	v21 =	vmul.f32 v12, v10;
	v10 =	vadd.s32 $0x1, v6  }
0x7f: {  	v17 =	vmul.f32 v15, v17;
	v6 =	vcvt.s32.f32 v10  }
0x80: {  	v22 =	vsub.f32 $1.500000000e+00, v21  }
0x81: {  	v18 =	vld [tilespmem:$0x1A9A0];
	v25 =	vsub.f32 $1.500000000e+00, v17;
	v23 =	vshra.s32 v6, $0x1;
	v6 =	vmul.f32 $5.000000000e-01, v6  }
0x82: {  	v19 =	vld [tilespmem:$0x1A8A0];
	v11 =	vmul.f32 v12, v22;
	v9 =	vsub.s32 $0x5F3759DF, v23  }
0x83: {  	v53 =	vld [tilespmem:$0x1A9F0];
	v15 =	vmul.f32 v15, v25;
	v24 =	vmul.f32 v9, v6  }
0x84: {  	v54 =	vld [tilespmem:$0x1A8F0];
	v16 =	vmul.f32 v11, v7  }
0x85: {  	v30 =	vmul.f32 v15, v14;
	v12 =	vmul.f32 v9, v24  }
0x86: {  	v16 =	vmul.f32 v16, v11  }
0x87: {  	v26 =	vld [tilespmem:$0x1A9B0];
	v28 =	vsub.s32 v18, v19;
	v19 =	vmul.f32 v30, v15;
	v12 =	vsub.f32 $1.500000000e+00, v12  }
0x88: {  	v20 =	vld [tilespmem:$0x1A8B0];
	v16 =	vsub.f32 $1.500000000e+00, v16  }
0x89: {  	v62 =	vsub.s32 v53, v54;
	v19 =	vsub.f32 $1.500000000e+00, v19;
	v12 =	vmul.f32 v9, v12  }
0x8a: {  	vm12 =	veq.s32 v13, $0x0;
	vm14 =	veq.s32 v8, $0x0;
	v16 =	vmul.f32 v16, v11  }
0x8b: {  	v11 =	vadd.s32 $0x1, v28;
	v15 =	vmul.f32 v19, v15;
	v27 =	vmul.f32 v12, v6  }
0x8c: {  	vm13 =	veq.s32 v10, $0x0;
	v9 =	vcvt.s32.f32 v11;
	v7 =	vmul.f32 v16, v7  }
0x8d: {  	v32 =	vld [tilespmem:$0x1A9C0];
	v17 =	vsub.s32 v26, v20;
	v14 =	vmul.f32 v15, v14;
	v29 =	vmul.f32 v27, v12  }
0x8e: {  	v23 =	vld [tilespmem:$0x1A8C0];
	v31 =	vshra.s32 v9, $0x1;
	v21 =	vmul.f32 $5.000000000e-01, v9;
	v9 =	vadd.s32 $0x1, v17  }
0x8f: {  	vm15 =	veq.s32 v11, $0x0;
	v7 =	vmul.f32 v7, v16;
	v22 =	vcvt.s32.f32 v9  }
0x90: {  	v20 =	vsub.s32 $0x5F3759DF, v31;
	v14 =	vmul.f32 v14, v15;
	v18 =	vsub.f32 $1.500000000e+00, v29  }
0x91: {  	v7 =	vsub.f32 $1.500000000e+00, v7;
	v34 =	vshra.s32 v22, $0x1;
	v22 =	vmul.f32 $5.000000000e-01, v22  }
0x92: {  	v25 =	vld [tilespmem:$0x1A8D0];
	v33 =	vmul.f32 v20, v21;
	v12 =	vmul.f32 v18, v12;
	v19 =	vsub.s32 $0x5F3759DF, v34  }
0x93: {  	v24 =	vld [tilespmem:$0x1A9D0];
	v26 =	vmul.f32 v19, v22;
	v27 =	vmul.f32 v7, v16;
	v7 =	vsub.s32 v32, v23  }
0x94: {  	v18 =	vmul.f32 v20, v33;
	v6 =	vmul.f32 v12, v6;
	v7 =	vadd.s32 $0x1, v7  }
0x95: {  	v58 =	vld [tilespmem:$0x1AA00];
	vm4 =	veq.s32 v9, $0x0;
	v36 =	vmul.f32 v19, v26;
	v38 =	vcvt.s32.f32 v7  }
0x96: {  	v59 =	vld [tilespmem:$0x1A900];
	v14 =	vsub.f32 $1.500000000e+00, v14;
	v35 =	vmul.f32 v6, v12;
	v6 =	vsub.f32 $1.500000000e+00, v18  }
0x97: {  	v27 =	vsel vm12, $0x7F800000, v27;
	v18 =	vsub.f32 $1.500000000e+00, v36;
	v41 =	vshra.s32 v38, $0x1  }
0x98: {  	v37 =	vmul.f32 v20, v6;
	v6 =	vsub.s32 v24, v25;
	v20 =	vmul.f32 $5.000000000e-01, v38  }
0x99: {  	v16 =	vsub.f32 $1.500000000e+00, v35;
	v6 =	vadd.s32 $0x1, v6;
	v18 =	vmul.f32 v19, v18  }
0x9a: {  	v19 =	vsub.s32 $0x5F3759DF, v41;
	v39 =	vmul.f32 v37, v21;
	v40 =	vcvt.s32.f32 v6  }
0x9b: {  	v38 =	vsub.s32 v58, v59;
	v28 =	vmul.f32 v19, v20;
	v30 =	vmul.f32 v16, v12  }
0x9c: {  	v43 =	vmul.f32 v18, v22;
	v42 =	vshra.s32 v40, $0x1;
	v24 =	vmul.f32 $5.000000000e-01, v40  }
0x9d: {  	v23 =	vmul.f32 v39, v37;
	v28 =	vmul.f32 v19, v28;
	v25 =	vsub.s32 $0x5F3759DF, v42  }
0x9e: {  	v48 =	vld [tilespmem:$0x1A9E0];
	v17 =	vadd.s32 $0x1, v38;
	v26 =	vmul.f32 v43, v18;
	v29 =	vmul.f32 v25, v24  }
0x9f: {  	v61 =	vld [tilespmem:$0x1AA10];
	v33 =	vcvt.s32.f32 v17;
	v23 =	vsub.f32 $1.500000000e+00, v23;
	v45 =	vsub.f32 $1.500000000e+00, v28  }
0xa0: {  	v63 =	vld [tilespmem:$0x1A910];
	v12 =	vmul.f32 v14, v15;
	v44 =	vsub.f32 $1.500000000e+00, v26;
	v29 =	vmul.f32 v25, v29  }
0xa1: {  	v49 =	vld [tilespmem:$0x1A8E0];
	v43 =	vshra.s32 v33, $0x1;
	v46 =	vmul.f32 v23, v37;
	v19 =	vmul.f32 v19, v45  }
0xa2: {  	v33 =	vmul.f32 $5.000000000e-01, v33;
	v18 =	vmul.f32 v44, v18;
	v47 =	vsub.f32 $1.500000000e+00, v29  }
0xa3: {  	v21 =	vmul.f32 v46, v21;
	v52 =	vmul.f32 v19, v20;
	v29 =	vsub.s32 $0x5F3759DF, v43  }
0xa4: {  	vm5 =	veq.s32 v7, $0x0;
	v51 =	vmul.f32 v18, v22;
	v44 =	vmul.f32 v29, v33  }
0xa5: {  	v41 =	vsub.s32 v61, v63;
	v50 =	vmul.f32 v25, v47;
	v21 =	vmul.f32 v21, v46  }
0xa6: {  	v16 =	vsub.s32 v48, v49;
	v22 =	vmul.f32 v52, v19;
	v14 =	vmul.f32 v51, v18  }
0xa7: {  	v45 =	vmul.f32 v29, v44;
	v25 =	vmul.f32 v50, v24;
	v21 =	vsub.f32 $1.500000000e+00, v21  }
0xa8: {  	v22 =	vsub.f32 $1.500000000e+00, v22;
	v55 =	vsub.f32 $1.500000000e+00, v14;
	v14 =	vadd.s32 $0x1, v16  }
0xa9: {  	v13 =	vsub.f32 $1.500000000e+00, v45;
	v25 =	vmul.f32 v25, v50;
	v16 =	vmul.f32 v21, v46  }
0xaa: {  	v57 =	vcvt.s32.f32 v14;
	v22 =	vmul.f32 v22, v19;
	v19 =	vadd.s32 $0x1, v62  }
0xab: {  	vm6 =	veq.s32 v6, $0x0;
	v18 =	vmul.f32 v55, v18;
	v15 =	vcvt.s32.f32 v19  }
0xac: {  	v13 =	vmul.f32 v29, v13;
	v56 =	vsub.f32 $1.500000000e+00, v25;
	v60 =	vshra.s32 v57, $0x1  }
0xad: {  	v21 =	vmul.f32 $5.000000000e-01, v57;
	v20 =	vmul.f32 v22, v20;
	v31 =	vsub.s32 $0x5F3759DF, v60  }
0xae: {  	v39 =	vshra.s32 v15, $0x1;
	v40 =	vmul.f32 $5.000000000e-01, v15;
	v52 =	vmul.f32 v13, v33  }
0xaf: {  	v15 =	vadd.s32 $0x1, v41;
	v23 =	vmul.f32 v56, v50;
	v37 =	vmul.f32 v31, v21  }
0xb0: {  	v20 =	vmul.f32 v20, v22;
	v25 =	vsub.s32 $0x5F3759DF, v39;
	v34 =	vcvt.s32.f32 v15  }
0xb1: {  	vm9 =	veq.s32 v17, $0x0;
	v42 =	vmul.f32 v25, v40;
	v53 =	vmul.f32 v52, v13  }
0xb2: {  	v12 =	vsel vm14, $0x7F800000, v12;
	v36 =	vmul.f32 v23, v24;
	v24 =	vmul.f32 v31, v37  }
0xb3: {  	v47 =	vld [tilespmem:$0x1AA20];
	v35 =	vshra.s32 v34, $0x1;
	v34 =	vmul.f32 $5.000000000e-01, v34;
	v20 =	vsub.f32 $1.500000000e+00, v20  }
0xb4: {  	v37 =	vld [tilespmem:$0x1A920];
	v26 =	vmul.f32 v25, v42;
	v35 =	vsub.s32 $0x5F3759DF, v35;
	v56 =	vsub.f32 $1.500000000e+00, v53  }
0xb5: {  	v32 =	vmul.f32 v36, v23;
	v24 =	vsub.f32 $1.500000000e+00, v24;
	v46 =	vmul.f32 v35, v34  }
0xb6: {  	v59 =	vld [tilespmem:$0x1AA30];
	v20 =	vmul.f32 v20, v22;
	v26 =	vsub.f32 $1.500000000e+00, v26;
	v13 =	vmul.f32 v56, v13  }
0xb7: {  	v62 =	vld [tilespmem:$0x1A930];
	v24 =	vmul.f32 v31, v24;
	v32 =	vsub.f32 $1.500000000e+00, v32;
	v31 =	vmul.f32 v35, v46  }
0xb8: {  	vm7 =	veq.s32 v14, $0x0;
	v25 =	vmul.f32 v25, v26;
	v38 =	vmul.f32 v13, v33  }
0xb9: {  	v44 =	vld [tilespmem:$0x1AA50];
	v26 =	vsub.s32 v47, v37;
	v36 =	vmul.f32 v24, v21;
	v23 =	vmul.f32 v32, v23  }
0xba: {  	v47 =	vld [tilespmem:$0x1A950];
	v50 =	vsub.f32 $1.500000000e+00, v31;
	v10 =	vadd.s32 $0x1, v26;
	v49 =	vmul.f32 v25, v40  }
0xbb: {  	vm8 =	veq.s32 v19, $0x0;
	v39 =	vld [tilespmem:$0x1AA40];
	v55 =	vcvt.s32.f32 v10;
	v8 =	vmul.f32 v38, v13  }
0xbc: {  	v42 =	vld [tilespmem:$0x1A940];
	v46 =	vsub.s32 v59, v62;
	v36 =	vmul.f32 v36, v24;
	v29 =	vmul.f32 v35, v50  }
0xbd: {  	v26 =	vsel vm13, $0x7F800000, v30;
	v51 =	vmul.f32 v49, v25;
	v8 =	vsub.f32 $1.500000000e+00, v8  }
0xbe: {  	v58 =	vshra.s32 v55, $0x1;
	v48 =	vsub.f32 $1.500000000e+00, v36;
	v54 =	vmul.f32 v29, v34  }
0xbf: {  	v52 =	vld [tilespmem:$0x1A960];
	v61 =	vsub.s32 $0x5F3759DF, v58;
	v32 =	vsub.s32 v44, v47;
	v8 =	vmul.f32 v8, v13  }
0xc0: {  	v50 =	vld [tilespmem:$0x1AA60];
	v32 =	vadd.s32 $0x1, v32;
	v22 =	vmul.f32 v48, v24;
	v24 =	vsub.f32 $1.500000000e+00, v51  }
0xc1: {  	v57 =	vmul.f32 v54, v29;
	v51 =	vsub.s32 v39, v42;
	v38 =	vcvt.s32.f32 v32  }
0xc2: {  	v13 =	vadd.s32 $0x1, v51;
	v21 =	vmul.f32 v22, v21;
	v24 =	vmul.f32 v24, v25  }
0xc3: {  	v25 =	vmul.f32 $5.000000000e-01, v55;
	v60 =	vsub.f32 $1.500000000e+00, v57;
	v55 =	vcvt.s32.f32 v13  }
0xc4: {  	v58 =	vshra.s32 v38, $0x1;
	v38 =	vmul.f32 $5.000000000e-01, v38;
	v28 =	vmul.f32 v24, v40  }
0xc5: {  	v30 =	vsub.s32 v50, v52;
	v21 =	vmul.f32 v21, v22;
	v63 =	vmul.f32 v61, v25  }
0xc6: {  	v30 =	vadd.s32 $0x1, v30;
	v29 =	vmul.f32 v60, v29;
	v28 =	vmul.f32 v28, v24  }
0xc7: {  	v57 =	vshra.s32 v55, $0x1;
	v36 =	vmul.f32 $5.000000000e-01, v55;
	v21 =	vsub.f32 $1.500000000e+00, v21  }
0xc8: {  	v41 =	vmul.f32 v61, v63;
	v40 =	vsub.f32 $1.500000000e+00, v28;
	v28 =	vadd.s32 $0x1, v46  }
0xc9: {  	v37 =	vsub.s32 $0x5F3759DF, v57;
	v43 =	vmul.f32 v29, v34;
	v49 =	vcvt.s32.f32 v28  }
0xca: {  	v31 =	vsub.s32 $0x5F3759DF, v58;
	v39 =	vmul.f32 v37, v36;
	v21 =	vmul.f32 v21, v22  }
0xcb: {  	v22 =	vmul.f32 v40, v24;
	v54 =	vshra.s32 v49, $0x1;
	v24 =	vmul.f32 $5.000000000e-01, v49  }
0xcc: {  	v11 =	vmul.f32 v43, v29;
	v40 =	vcvt.s32.f32 v30;
	v56 =	vsub.s32 $0x5F3759DF, v54  }
0xcd: {  	v45 =	vsub.f32 $1.500000000e+00, v41;
	v41 =	vmul.f32 v31, v38;
	v35 =	vmul.f32 v56, v24  }
0xce: {  	v39 =	vmul.f32 v37, v39;
	v42 =	vshra.s32 v40, $0x1;
	v40 =	vmul.f32 $5.000000000e-01, v40  }
0xcf: {  	v48 =	vmul.f32 v61, v45;
	v42 =	vsub.s32 $0x5F3759DF, v42;
	v35 =	vmul.f32 v56, v35  }
0xd0: {  	v11 =	vsub.f32 $1.500000000e+00, v11;
	v41 =	vmul.f32 v31, v41;
	v60 =	vmul.f32 v42, v40  }
0xd1: {  	v59 =	vsub.f32 $1.500000000e+00, v39;
	v53 =	vmul.f32 v48, v25;
	v35 =	vsub.f32 $1.500000000e+00, v35  }
0xd2: {  	v11 =	vmul.f32 v11, v29;
	v62 =	vsub.f32 $1.500000000e+00, v41;
	v63 =	vmul.f32 v42, v60  }
0xd3: {  	v16 =	vsel vm15, $0x7F800000, v16;
	v29 =	vmul.f32 v37, v59;
	v61 =	vmul.f32 v56, v35  }
0xd4: {  	v33 =	vmul.f32 v53, v48;
	v7 =	vmul.f32 v31, v62;
	v39 =	vsub.f32 $1.500000000e+00, v63  }
0xd5: {  	v18 =	vsel vm4, $0x7F800000, v18;
	v41 =	vmul.f32 v29, v36;
	v37 =	vmul.f32 v61, v24  }
0xd6: {  	v33 =	vsub.f32 $1.500000000e+00, v33;
	v44 =	vmul.f32 v7, v38;
	v43 =	vmul.f32 v42, v39  }
0xd7: {  	vm10 =	veq.s32 v15, $0x0;
	v31 =	vmul.f32 v41, v29;
	v6 =	vmul.f32 v37, v61  }
0xd8: {  	v20 =	vsel vm5, $0x7F800000, v20;
	v9 =	vmul.f32 v33, v48;
	v46 =	vmul.f32 v43, v40  }
0xd9: {  	vm11 =	veq.s32 v10, $0x0;
	v45 =	vmul.f32 v44, v7;
	v6 =	vsub.f32 $1.500000000e+00, v6  }
0xda: {  	[tilespmem:$0x19F70] =	vst v27;
	v47 =	vsub.f32 $1.500000000e+00, v31;
	v25 =	vmul.f32 v9, v25;
	v48 =	vmul.f32 v46, v43  }
0xdb: {  	[tilespmem:$0x19F90] =	vst v12;
	v23 =	vsel vm6, $0x7F800000, v23;
	v19 =	vsub.f32 $1.500000000e+00, v45;
	v6 =	vmul.f32 v6, v61  }
0xdc: {  	[tilespmem:$0x19FA0] =	vst v16;
	v50 =	vmul.f32 v47, v29;
	v49 =	vmul.f32 v25, v9;
	v51 =	vsub.f32 $1.500000000e+00, v48  }
0xdd: {  	[tilespmem:$0x19FB0] =	vst v18;
	v8 =	vsel vm9, $0x7F800000, v8;
	v7 =	vmul.f32 v19, v7;
	v24 =	vmul.f32 v6, v24  }
0xde: {  	[tilespmem:$0x19FC0] =	vst v20;
	vm12 =	veq.s32 v28, $0x0;
	v54 =	vmul.f32 v50, v36;
	v14 =	vmul.f32 v51, v43  }
0xdf: {  	[tilespmem:$0x19F80] =	vst v26;
	v52 =	vsel vm7, $0x7F800000, v21;
	v56 =	vmul.f32 v7, v38;
	v53 =	vmul.f32 v24, v6  }
0xe0: {  	[tilespmem:$0x19FD0] =	vst v23;
	v17 =	vsub.f32 $1.500000000e+00, v49;
	v15 =	vmul.f32 v54, v50;
	v58 =	vmul.f32 v14, v40  }
0xe1: {  	[tilespmem:$0x1A000] =	vst v8;
	v57 =	vsel vm8, $0x7F800000, v22;
	v59 =	vmul.f32 v56, v7;
	v55 =	vsub.f32 $1.500000000e+00, v53  }
0xe2: {  	[tilespmem:$0x19FE0] =	vst v52;
	v9 =	vmul.f32 v17, v9;
	v15 =	vsub.f32 $1.500000000e+00, v15;
	v60 =	vmul.f32 v58, v14  }
0xe3: {  	[tilespmem:$0x19FF0] =	vst v57;
	v61 =	vsel vm10, $0x7F800000, v11;
	v10 =	vsub.f32 $1.500000000e+00, v59;
	v6 =	vmul.f32 v55, v6  }
0xe4: {  	[tilespmem:$0x1A010] =	vst v61;
	v62 =	vmul.f32 v15, v50;
	v9 =	vsel vm11, $0x7F800000, v9;
	v63 =	vsub.f32 $1.500000000e+00, v60  }
0xe5: {  	vm13 =	veq.s32 v13, $0x0;
	[tilespmem:$0x1A020] =	vst v9;
	v7 =	vmul.f32 v10, v7;
	v6 =	vsel vm12, $0x7F800000, v6  }
0xe6: {  	vm14 =	veq.s32 v32, $0x0;
	v8 =	vsel vm13, $0x7F800000, v62;
	[tilespmem:$0x1A030] =	vst v6;
	v6 =	vmul.f32 v63, v14  }
0xe7: {  	vm15 =	veq.s32 v30, $0x0;
	[tilespmem:$0x1A040] =	vst v8;
	v7 =	vsel vm14, $0x7F800000, v7  }
0xe8: {  	[tilespmem:$0x1A050] =	vst v7;
	v6 =	vsel vm15, $0x7F800000, v6  }
0xe9: {  	s6 =	simm.s32 @!p0 $0x5;
	[tilespmem:$0x1A060] =	vst v6  }
0xea: {  	_ =	swait.ge @!p0 [sflag:s6], $0x30E0  }
0xeb: {  	[sflag:s6] =	ssyncset.done @!p0 $0x0  }
0xec: {  	[sflag:s6] =	ssyncadd.s32 @!p0 $0xFFFFCF20  }
0xed: {  	[bflag:$0x0] =	sbarrier.arrive $0xFFFF  }
0xee: {  	[tilespmem:s29], [sflag:$0x6] =	stream.linear.gather [spmem:s12], $0x18700, $0x38;
	[tilespmem:$0x1FA70] =	vst v63  }
0xef: {  	_ =	swait.ge [sflag:s24], $0x18700  }
0xf0: {  	[sflag:s24] =	ssyncset.done $0x0  }
0xf1: {  	s2 =	smov.u32 s12;
	s6 =	simm.s32 $0x0;
	[sflag:s24] =	ssyncadd.s32 $0xFFFE7900  }
.LBB2_4:
0xf2: {  	_ =	swait.ge [sflag:s30], $0x1400  }
0xf3: {  	[sflag:s30] =	ssyncset.done $0x0  }
0xf4: {  	[sflag:s30] =	ssyncadd.s32 $0xFFFFEC00  }
0xf5: {  	_ =	swait.ge [sflag:s30], $0xA00  }
0xf6: {  	p1 =	seq.s32 s6, $0x0;
	[sflag:s30] =	ssyncset.done $0x0  }
0xf7: {  	s9 =	simm.s32 @!p1 $0x3;
	[sflag:s30] =	ssyncadd.s32 $0xFFFFF600  }
0xf8: {  	_ =	swait.ge @!p1 [sflag:s9], $0xA00  }
0xf9: {  	[sflag:s9] =	ssyncset.done @!p1 $0x0  }
0xfa: {  	s19 =	simm.s32 $0x1AB70;
	[sflag:s9] =	ssyncadd.s32 @!p1 $0xFFFFF600  }
0xfb: {  	v6 =	vld [tilespmem:s19+$0x70]  }
0xfc: {  	v7 =	vld [tilespmem:s19+$0xFFFFFF10]  }
0xfd: {  	v8 =	vld [tilespmem:s19+$0xFFFFFF20]  }
0xfe: {  	v9 =	vld [tilespmem:s19+$0xFFFFFF30]  }
0xff: {  	v10 =	vld [tilespmem:s19+$0xFFFFFF40]  }
0x100: {  	v11 =	vld [tilespmem:s19+$0xFFFFFF50]  }
0x101: {  	v12 =	vld [tilespmem:s19+$0xFFFFFF60]  }
0x102: {  	v13 =	vld [tilespmem:s19+$0xFFFFFF70]  }
0x103: {  	v14 =	vld [tilespmem:s19+$0x0]  }
0x104: {  	v15 =	vld [tilespmem:s19+$0x10]  }
0x105: {  	v16 =	vld [tilespmem:s19+$0x20]  }
0x106: {  	v17 =	vld [tilespmem:s19+$0x30]  }
0x107: {  	v18 =	vld [tilespmem:s19+$0x40]  }
0x108: {  	v19 =	vld [tilespmem:s19+$0x50]  }
0x109: {  	s10 =	simm.s32 $0x1D2F0;
	v20 =	vld [tilespmem:s19+$0x60]  }
0x10a: {  	v22 =	vld [tilespmem:s10+$0x70]  }
0x10b: {  	v61 =	vld [tilespmem:s10+$0xFFFFFFC0]  }
0x10c: {  	v62 =	vld [tilespmem:s10+$0xFFFFFFD0]  }
0x10d: {  	v63 =	vld [tilespmem:s10+$0x10]  }
0x10e: {  	v6 =	vld.idx.msk [tilespmem:v6+s29+$0x0], $0xffff  }
0x10f: {  	v7 =	vld.idx.msk [tilespmem:v7+s29+$0x0], $0xffff  }
0x110: {  	v8 =	vld.idx.msk [tilespmem:v8+s29+$0x0], $0xffff  }
0x111: {  	v9 =	vld.idx.msk [tilespmem:v9+s29+$0x0], $0xffff  }
0x112: {  	v10 =	vld.idx.msk [tilespmem:v10+s29+$0x0], $0xffff  }
0x113: {  	v11 =	vld.idx.msk [tilespmem:v11+s29+$0x0], $0xffff  }
0x114: {  	v12 =	vld.idx.msk [tilespmem:v12+s29+$0x0], $0xffff  }
0x115: {  	v13 =	vld.idx.msk [tilespmem:v13+s29+$0x0], $0xffff  }
0x116: {  	v14 =	vld.idx.msk [tilespmem:v14+s29+$0x0], $0xffff  }
0x117: {  	v15 =	vld.idx.msk [tilespmem:v15+s29+$0x0], $0xffff  }
0x118: {  	v16 =	vld.idx.msk [tilespmem:v16+s29+$0x0], $0xffff  }
0x119: {  	v17 =	vld.idx.msk [tilespmem:v17+s29+$0x0], $0xffff  }
0x11a: {  	v18 =	vld.idx.msk [tilespmem:v18+s29+$0x0], $0xffff  }
0x11b: {  	v21 =	vld.idx.msk [tilespmem:v6+s31+$0x0], $0xffff  }
0x11c: {  	v6 =	vld [tilespmem:s19+$0xFFFFFF00]  }
0x11d: {  	v19 =	vld.idx.msk [tilespmem:v19+s29+$0x0], $0xffff  }
0x11e: {  	v20 =	vld.idx.msk [tilespmem:v20+s29+$0x0], $0xffff  }
0x11f: {  	v24 =	vld.idx.msk [tilespmem:v7+s31+$0x0], $0xffff  }
0x120: {  	v25 =	vld.idx.msk [tilespmem:v8+s31+$0x0], $0xffff  }
0x121: {  	v26 =	vld.idx.msk [tilespmem:v9+s31+$0x0], $0xffff  }
0x122: {  	v27 =	vld.idx.msk [tilespmem:v10+s31+$0x0], $0xffff  }
0x123: {  	v11 =	vld.idx.msk [tilespmem:v11+s31+$0x0], $0xffff  }
0x124: {  	v6 =	vld.idx.msk [tilespmem:v6+s29+$0x0], $0xffff  }
0x125: {  	v12 =	vld.idx.msk [tilespmem:v12+s31+$0x0], $0xffff  }
0x126: {  	v28 =	vld.idx.msk [tilespmem:v14+s31+$0x0], $0xffff  }
0x127: {  	v10 =	vld.idx.msk [tilespmem:v16+s31+$0x0], $0xffff  }
0x128: {  	v9 =	vld.idx.msk [tilespmem:v17+s31+$0x0], $0xffff  }
0x129: {  	v8 =	vld.idx.msk [tilespmem:v18+s31+$0x0], $0xffff  }
0x12a: {  	v14 =	vld [tilespmem:s10+$0xFFFFFF80]  }
0x12b: {  	v16 =	vld [tilespmem:s10+$0xFFFFFF90]  }
0x12c: {  	v23 =	vld.idx.msk [tilespmem:v6+s31+$0x0], $0xffff  }
0x12d: {  	v18 =	vld [tilespmem:s10+$0xFFFFFFB0]  }
0x12e: {  	v17 =	vld [tilespmem:s10+$0xFFFFFFA0]  }
0x12f: {  	v7 =	vld.idx.msk [tilespmem:v19+s31+$0x0], $0xffff;
	v19 =	vmul.f32 v22, v21  }
0x130: {  	s11 =	simm.s32 $0x1E6F0;
	v13 =	vld.idx.msk [tilespmem:v13+s31+$0x0], $0xffff;
	v16 =	vmul.f32 v16, v24  }
0x131: {  	v15 =	vld.idx.msk [tilespmem:v15+s31+$0x0], $0xffff;
	[tilespmem:s11+$0x70] =	vst v19;
	v14 =	vmul.f32 v14, v23  }
0x132: {  	v19 =	vld [tilespmem:s10+$0xFFFFFFE0];
	[tilespmem:s11+$0xFFFFFF90] =	vst v16;
	v16 =	vmul.f32 v18, v26  }
0x133: {  	[tilespmem:s11+$0xFFFFFF80] =	vst v14;
	v14 =	vmul.f32 v17, v25;
	v17 =	vld [tilespmem:s10+$0xFFFFFFF0]  }
0x134: {  	v18 =	vld [tilespmem:s10+$0x0];
	[tilespmem:s11+$0xFFFFFFB0] =	vst v16  }
0x135: {  	v16 =	vmul.f32 v62, v11;
	v11 =	vld [tilespmem:s10+$0x20];
	[tilespmem:s11+$0xFFFFFFA0] =	vst v14;
	v14 =	vmul.f32 v61, v27  }
0x136: {  	v6 =	vld.idx.msk [tilespmem:v20+s31+$0x0], $0xffff  }
0x137: {  	[tilespmem:s11+$0xFFFFFFC0] =	vst v14;
	v14 =	vmul.f32 v19, v12;
	v12 =	vld [tilespmem:s10+$0x30]  }
0x138: {  	[tilespmem:s11+$0xFFFFFFD0] =	vst v16;
	v16 =	vmul.f32 v17, v13;
	v13 =	vld [tilespmem:s10+$0x40]  }
0x139: {  	v17 =	vmul.f32 v18, v28;
	[tilespmem:s11+$0xFFFFFFE0] =	vst v14;
	v14 =	vld [tilespmem:s10+$0x50]  }
0x13a: {  	s12 =	simm.s32 $0x0;
	s15 =	simm.s32 $0x1AD70;
	s9 =	sshll.u32 s6, $0x6;
	[tilespmem:s11+$0xFFFFFFF0] =	vst v16;
	v16 =	vmul.f32 v63, v15;
	v15 =	vld [tilespmem:s10+$0x60]  }
.LBB2_5:
0x13b: {  	v18 =	vld [tilespmem:s15+$0x70];
	s12 =	sadd.s32 $0x100, s12;
	[tilespmem:s11+$0x0] =	vst v17;
	v10 =	vmul.f32 v11, v10  }
0x13c: {  	v11 =	vld [tilespmem:s15+$0xFFFFFF10];
	p2 =	slt.u32 s12, $0x900;
	[tilespmem:s11+$0x10] =	vst v16;
	v9 =	vmul.f32 v12, v9  }
0x13d: {  	v12 =	vld [tilespmem:s15+$0xFFFFFF20];
	[tilespmem:s11+$0x20] =	vst v10;
	v8 =	vmul.f32 v13, v8  }
0x13e: {  	v10 =	vld [tilespmem:s15+$0xFFFFFF30];
	[tilespmem:s11+$0x30] =	vst v9;
	v7 =	vmul.f32 v14, v7  }
0x13f: {  	v9 =	vld [tilespmem:s15+$0xFFFFFF40];
	[tilespmem:s11+$0x40] =	vst v8;
	v6 =	vmul.f32 v15, v6  }
0x140: {  	v8 =	vld [tilespmem:s15+$0xFFFFFF50];
	[tilespmem:s11+$0x50] =	vst v7  }
0x141: {  	v7 =	vld [tilespmem:s15+$0xFFFFFF60];
	[tilespmem:s11+$0x60] =	vst v6  }
0x142: {  	v6 =	vld [tilespmem:s15+$0xFFFFFF70]  }
0x143: {  	v13 =	vld.idx.msk [tilespmem:v18+s29+$0x0], $0xffff  }
0x144: {  	v14 =	vld [tilespmem:s15+$0x0]  }
0x145: {  	v15 =	vld [tilespmem:s15+$0x10]  }
0x146: {  	v16 =	vld [tilespmem:s15+$0x20]  }
0x147: {  	v17 =	vld [tilespmem:s15+$0x30]  }
0x148: {  	v18 =	vld [tilespmem:s15+$0x40]  }
0x149: {  	v19 =	vld [tilespmem:s15+$0x50]  }
0x14a: {  	v20 =	vld [tilespmem:s15+$0x60]  }
0x14b: {  	s10 =	sadd.s32 $0x100, s10;
	v13 =	vld.idx.msk [tilespmem:v13+s31+$0x0], $0xffff  }
0x14c: {  	v21 =	vld [tilespmem:s10+$0x70]  }
0x14d: {  	v22 =	vld [tilespmem:s15+$0xFFFFFF00]  }
0x14e: {  	v11 =	vld.idx.msk [tilespmem:v11+s29+$0x0], $0xffff  }
0x14f: {  	v12 =	vld.idx.msk [tilespmem:v12+s29+$0x0], $0xffff  }
0x150: {  	v10 =	vld.idx.msk [tilespmem:v10+s29+$0x0], $0xffff  }
0x151: {  	v9 =	vld.idx.msk [tilespmem:v9+s29+$0x0], $0xffff;
	v13 =	vmul.f32 v21, v13  }
0x152: {  	s11 =	sadd.s32 $0x100, s11;
	v8 =	vld.idx.msk [tilespmem:v8+s29+$0x0], $0xffff  }
0x153: {  	v7 =	vld.idx.msk [tilespmem:v7+s29+$0x0], $0xffff;
	[tilespmem:s11+$0x70] =	vst v13  }
0x154: {  	v6 =	vld.idx.msk [tilespmem:v6+s29+$0x0], $0xffff  }
0x155: {  	v13 =	vld.idx.msk [tilespmem:v22+s29+$0x0], $0xffff  }
0x156: {  	v14 =	vld.idx.msk [tilespmem:v14+s29+$0x0], $0xffff  }
0x157: {  	v15 =	vld.idx.msk [tilespmem:v15+s29+$0x0], $0xffff  }
0x158: {  	v16 =	vld.idx.msk [tilespmem:v16+s29+$0x0], $0xffff  }
0x159: {  	v17 =	vld.idx.msk [tilespmem:v17+s29+$0x0], $0xffff  }
0x15a: {  	v18 =	vld.idx.msk [tilespmem:v18+s29+$0x0], $0xffff  }
0x15b: {  	v19 =	vld.idx.msk [tilespmem:v19+s29+$0x0], $0xffff  }
0x15c: {  	v20 =	vld.idx.msk [tilespmem:v20+s29+$0x0], $0xffff  }
0x15d: {  	v13 =	vld.idx.msk [tilespmem:v13+s31+$0x0], $0xffff  }
0x15e: {  	v11 =	vld.idx.msk [tilespmem:v11+s31+$0x0], $0xffff  }
0x15f: {  	v12 =	vld.idx.msk [tilespmem:v12+s31+$0x0], $0xffff  }
0x160: {  	v21 =	vld.idx.msk [tilespmem:v10+s31+$0x0], $0xffff  }
0x161: {  	v22 =	vld.idx.msk [tilespmem:v9+s31+$0x0], $0xffff  }
0x162: {  	v23 =	vld.idx.msk [tilespmem:v8+s31+$0x0], $0xffff  }
0x163: {  	v24 =	vld.idx.msk [tilespmem:v7+s31+$0x0], $0xffff  }
0x164: {  	v25 =	vld.idx.msk [tilespmem:v6+s31+$0x0], $0xffff  }
0x165: {  	v14 =	vld.idx.msk [tilespmem:v14+s31+$0x0], $0xffff  }
0x166: {  	v15 =	vld.idx.msk [tilespmem:v15+s31+$0x0], $0xffff  }
0x167: {  	v10 =	vld.idx.msk [tilespmem:v16+s31+$0x0], $0xffff  }
0x168: {  	v9 =	vld.idx.msk [tilespmem:v17+s31+$0x0], $0xffff  }
0x169: {  	v8 =	vld.idx.msk [tilespmem:v18+s31+$0x0], $0xffff  }
0x16a: {  	v7 =	vld.idx.msk [tilespmem:v19+s31+$0x0], $0xffff  }
0x16b: {  	v6 =	vld.idx.msk [tilespmem:v20+s31+$0x0], $0xffff  }
0x16c: {  	v16 =	vld [tilespmem:s10+$0xFFFFFF80]  }
0x16d: {  	v17 =	vld [tilespmem:s10+$0xFFFFFF90]  }
0x16e: {  	v18 =	vld [tilespmem:s10+$0xFFFFFFA0]  }
0x16f: {  	v19 =	vld [tilespmem:s10+$0xFFFFFFB0]  }
0x170: {  	v20 =	vld [tilespmem:s10+$0xFFFFFFC0]  }
0x171: {  	v13 =	vmul.f32 v16, v13;
	v16 =	vld [tilespmem:s10+$0xFFFFFFD0]  }
0x172: {  	v11 =	vmul.f32 v17, v11;
	v17 =	vld [tilespmem:s10+$0xFFFFFFE0]  }
0x173: {  	[tilespmem:s11+$0xFFFFFF80] =	vst v13;
	v12 =	vmul.f32 v18, v12;
	v13 =	vld [tilespmem:s10+$0xFFFFFFF0]  }
0x174: {  	[tilespmem:s11+$0xFFFFFF90] =	vst v11;
	v11 =	vmul.f32 v19, v21;
	v18 =	vld [tilespmem:s10+$0x0]  }
0x175: {  	[tilespmem:s11+$0xFFFFFFA0] =	vst v12;
	v12 =	vmul.f32 v20, v22;
	v19 =	vld [tilespmem:s10+$0x10]  }
.Ltmp3:
0x176: {  	[tilespmem:s11+$0xFFFFFFB0] =	vst v11;
	v16 =	vmul.f32 v16, v23;
	v11 =	vld [tilespmem:s10+$0x20];
	(pc) =	sbr.rel @p2 .LBB2_5-.Ltmp3, $4  }
0x177: {  	[tilespmem:s11+$0xFFFFFFC0] =	vst v12;
	v17 =	vmul.f32 v17, v24;
	v12 =	vld [tilespmem:s10+$0x30]  }
0x178: {  	[tilespmem:s11+$0xFFFFFFD0] =	vst v16;
	v16 =	vmul.f32 v13, v25;
	v13 =	vld [tilespmem:s10+$0x40]  }
0x179: {  	[tilespmem:s11+$0xFFFFFFE0] =	vst v17;
	v17 =	vmul.f32 v18, v14;
	v14 =	vld [tilespmem:s10+$0x50]  }
0x17a: {  	s15 =	sadd.s32 $0x200, s15;
	[tilespmem:s11+$0xFFFFFFF0] =	vst v16;
	v16 =	vmul.f32 v19, v15;
	v15 =	vld [tilespmem:s10+$0x60]  }
0x17b: {  	[tilespmem:s11+$0x0] =	vst v17;
	v10 =	vmul.f32 v11, v10  }
0x17c: {  	[tilespmem:s11+$0x10] =	vst v16;
	v9 =	vmul.f32 v12, v9  }
0x17d: {  	[tilespmem:s11+$0x20] =	vst v10;
	v8 =	vmul.f32 v13, v8  }
0x17e: {  	s10 =	sor.u32 s8, s9;
	[tilespmem:s11+$0x30] =	vst v9;
	v7 =	vmul.f32 v14, v7  }
0x17f: {  	s12 =	smul.u32 $0x140, s10;
	[tilespmem:s11+$0x40] =	vst v8;
	v6 =	vmul.f32 v15, v6  }
0x180: {  	s15 =	sadd.s32 s13, s9;
	[tilespmem:s11+$0x50] =	vst v7  }
0x181: {  	s19 =	smul.u32 $0x280, s15;
	s12 =	sadd.s32 s4, s12;
	[tilespmem:s11+$0x60] =	vst v6  }
0x182: {  	[hbm4b:s12+s7] =	stream.linear.scatter [tilespmem:s5], [sflag:$0x3], $0xA00, $0x38;
	[tilespmem:$0x1FA70] =	vst v63  }
0x183: {  	s12 =	sadd.s32 s0, s19;
	s19 =	smul.u32 $0x140, s15  }
0x184: {  	[tilespmem:s20], [sflag:$0x1] =	stream.linear.gather [hbm4b:s12+s7], $0x1400, $0x38;
	[tilespmem:$0x1FA70] =	vst v63  }
0x185: {  	s15 =	sadd.s32 s1, s19  }
0x186: {  	[tilespmem:s21], [sflag:$0x1] =	stream.linear.gather [hbm4b:s15+s7], $0xA00, $0x38;
	[tilespmem:$0x1FA70] =	vst v63  }
0x187: {  	_ =	swait.ge [sflag:s16], $0x1400  }
0x188: {  	[sflag:s16] =	ssyncset.done $0x0  }
0x189: {  	[sflag:s16] =	ssyncadd.s32 $0xFFFFEC00  }
0x18a: {  	_ =	swait.ge [sflag:s16], $0xA00  }
0x18b: {  	[sflag:s16] =	ssyncset.done $0x0  }
0x18c: {  	s11 =	simm.s32 @!p1 $0x4;
	[sflag:s16] =	ssyncadd.s32 $0xFFFFF600  }
0x18d: {  	_ =	swait.ge @!p1 [sflag:s11], $0xA00  }
0x18e: {  	[sflag:s11] =	ssyncset.done @!p1 $0x0  }
0x18f: {  	s19 =	simm.s32 $0x1BF70;
	[sflag:s11] =	ssyncadd.s32 @!p1 $0xFFFFF600  }
0x190: {  	v6 =	vld [tilespmem:s19+$0x70]  }
0x191: {  	v7 =	vld [tilespmem:s19+$0xFFFFFF10]  }
0x192: {  	v8 =	vld [tilespmem:s19+$0xFFFFFF20]  }
0x193: {  	v9 =	vld [tilespmem:s19+$0xFFFFFF30]  }
0x194: {  	v10 =	vld [tilespmem:s19+$0xFFFFFF40]  }
0x195: {  	v11 =	vld [tilespmem:s19+$0xFFFFFF50]  }
0x196: {  	v12 =	vld [tilespmem:s19+$0xFFFFFF60]  }
0x197: {  	v13 =	vld [tilespmem:s19+$0xFFFFFF70]  }
0x198: {  	v14 =	vld [tilespmem:s19+$0x0]  }
0x199: {  	v15 =	vld [tilespmem:s19+$0x10]  }
0x19a: {  	v16 =	vld [tilespmem:s19+$0x20]  }
0x19b: {  	v17 =	vld [tilespmem:s19+$0x30]  }
0x19c: {  	v18 =	vld [tilespmem:s19+$0x40]  }
0x19d: {  	v19 =	vld [tilespmem:s19+$0x50]  }
0x19e: {  	s11 =	simm.s32 $0x1DCF0;
	v20 =	vld [tilespmem:s19+$0x60]  }
0x19f: {  	v22 =	vld [tilespmem:s11+$0x70]  }
0x1a0: {  	v61 =	vld [tilespmem:s11+$0xFFFFFFC0]  }
0x1a1: {  	v62 =	vld [tilespmem:s11+$0xFFFFFFD0]  }
0x1a2: {  	v63 =	vld [tilespmem:s11+$0x10]  }
0x1a3: {  	v6 =	vld.idx.msk [tilespmem:v6+s29+$0x0], $0xffff  }
0x1a4: {  	v7 =	vld.idx.msk [tilespmem:v7+s29+$0x0], $0xffff  }
0x1a5: {  	v8 =	vld.idx.msk [tilespmem:v8+s29+$0x0], $0xffff  }
0x1a6: {  	v9 =	vld.idx.msk [tilespmem:v9+s29+$0x0], $0xffff  }
0x1a7: {  	v10 =	vld.idx.msk [tilespmem:v10+s29+$0x0], $0xffff  }
0x1a8: {  	v11 =	vld.idx.msk [tilespmem:v11+s29+$0x0], $0xffff  }
0x1a9: {  	v12 =	vld.idx.msk [tilespmem:v12+s29+$0x0], $0xffff  }
0x1aa: {  	v13 =	vld.idx.msk [tilespmem:v13+s29+$0x0], $0xffff  }
0x1ab: {  	v14 =	vld.idx.msk [tilespmem:v14+s29+$0x0], $0xffff  }
0x1ac: {  	v15 =	vld.idx.msk [tilespmem:v15+s29+$0x0], $0xffff  }
0x1ad: {  	v16 =	vld.idx.msk [tilespmem:v16+s29+$0x0], $0xffff  }
0x1ae: {  	v17 =	vld.idx.msk [tilespmem:v17+s29+$0x0], $0xffff  }
0x1af: {  	v18 =	vld.idx.msk [tilespmem:v18+s29+$0x0], $0xffff  }
0x1b0: {  	v21 =	vld.idx.msk [tilespmem:v6+s31+$0x0], $0xffff  }
0x1b1: {  	v6 =	vld [tilespmem:s19+$0xFFFFFF00]  }
0x1b2: {  	v19 =	vld.idx.msk [tilespmem:v19+s29+$0x0], $0xffff  }
0x1b3: {  	v20 =	vld.idx.msk [tilespmem:v20+s29+$0x0], $0xffff  }
0x1b4: {  	v24 =	vld.idx.msk [tilespmem:v7+s31+$0x0], $0xffff  }
0x1b5: {  	v25 =	vld.idx.msk [tilespmem:v8+s31+$0x0], $0xffff  }
0x1b6: {  	v26 =	vld.idx.msk [tilespmem:v9+s31+$0x0], $0xffff  }
0x1b7: {  	v27 =	vld.idx.msk [tilespmem:v10+s31+$0x0], $0xffff  }
0x1b8: {  	v11 =	vld.idx.msk [tilespmem:v11+s31+$0x0], $0xffff  }
0x1b9: {  	v6 =	vld.idx.msk [tilespmem:v6+s29+$0x0], $0xffff  }
0x1ba: {  	v12 =	vld.idx.msk [tilespmem:v12+s31+$0x0], $0xffff  }
0x1bb: {  	v28 =	vld.idx.msk [tilespmem:v14+s31+$0x0], $0xffff  }
0x1bc: {  	v10 =	vld.idx.msk [tilespmem:v16+s31+$0x0], $0xffff  }
0x1bd: {  	v9 =	vld.idx.msk [tilespmem:v17+s31+$0x0], $0xffff  }
0x1be: {  	v8 =	vld.idx.msk [tilespmem:v18+s31+$0x0], $0xffff  }
0x1bf: {  	v14 =	vld [tilespmem:s11+$0xFFFFFF80]  }
0x1c0: {  	v16 =	vld [tilespmem:s11+$0xFFFFFF90]  }
0x1c1: {  	v23 =	vld.idx.msk [tilespmem:v6+s31+$0x0], $0xffff  }
0x1c2: {  	v17 =	vld [tilespmem:s11+$0xFFFFFFA0]  }
0x1c3: {  	v18 =	vld [tilespmem:s11+$0xFFFFFFB0]  }
0x1c4: {  	v7 =	vld.idx.msk [tilespmem:v19+s31+$0x0], $0xffff;
	v19 =	vmul.f32 v22, v21  }
0x1c5: {  	s12 =	simm.s32 $0x1F0F0;
	v13 =	vld.idx.msk [tilespmem:v13+s31+$0x0], $0xffff;
	v16 =	vmul.f32 v16, v24  }
0x1c6: {  	[tilespmem:s12+$0x70] =	vst v19;
	v19 =	vld [tilespmem:s11+$0xFFFFFFE0];
	v14 =	vmul.f32 v14, v23  }
0x1c7: {  	v15 =	vld.idx.msk [tilespmem:v15+s31+$0x0], $0xffff;
	[tilespmem:s12+$0xFFFFFF90] =	vst v16  }
0x1c8: {  	v16 =	vmul.f32 v18, v26;
	[tilespmem:s12+$0xFFFFFF80] =	vst v14;
	v14 =	vmul.f32 v17, v25;
	v17 =	vld [tilespmem:s11+$0xFFFFFFF0]  }
0x1c9: {  	v18 =	vld [tilespmem:s11+$0x0]  }
0x1ca: {  	[tilespmem:s12+$0xFFFFFFB0] =	vst v16;
	v16 =	vmul.f32 v62, v11;
	v11 =	vld [tilespmem:s11+$0x20]  }
0x1cb: {  	v19 =	vmul.f32 v19, v12;
	v12 =	vld [tilespmem:s11+$0x30];
	[tilespmem:s12+$0xFFFFFFA0] =	vst v14;
	v14 =	vmul.f32 v61, v27  }
0x1cc: {  	[tilespmem:s12+$0xFFFFFFD0] =	vst v16;
	v6 =	vld.idx.msk [tilespmem:v20+s31+$0x0], $0xffff  }
0x1cd: {  	[tilespmem:s12+$0xFFFFFFC0] =	vst v14;
	v14 =	vld [tilespmem:s11+$0x40];
	v16 =	vmul.f32 v17, v13  }
0x1ce: {  	[tilespmem:s12+$0xFFFFFFE0] =	vst v19;
	v13 =	vld [tilespmem:s11+$0x50];
	v17 =	vmul.f32 v18, v28  }
0x1cf: {  	s15 =	simm.s32 $0x0;
	s19 =	simm.s32 $0x1C170;
	[tilespmem:s12+$0xFFFFFFF0] =	vst v16;
	v16 =	vmul.f32 v63, v15;
	v15 =	vld [tilespmem:s11+$0x60]  }
.LBB2_7:
0x1d0: {  	v18 =	vld [tilespmem:s19+$0x70];
	s15 =	sadd.s32 $0x100, s15;
	[tilespmem:s12+$0x0] =	vst v17;
	v10 =	vmul.f32 v11, v10  }
0x1d1: {  	v11 =	vld [tilespmem:s19+$0xFFFFFF10];
	p1 =	slt.u32 s15, $0x900;
	[tilespmem:s12+$0x10] =	vst v16;
	v9 =	vmul.f32 v12, v9  }
0x1d2: {  	v12 =	vld [tilespmem:s19+$0xFFFFFF20];
	[tilespmem:s12+$0x20] =	vst v10;
	v8 =	vmul.f32 v14, v8  }
0x1d3: {  	v10 =	vld [tilespmem:s19+$0xFFFFFF30];
	[tilespmem:s12+$0x30] =	vst v9;
	v7 =	vmul.f32 v13, v7  }
0x1d4: {  	v9 =	vld [tilespmem:s19+$0xFFFFFF40];
	[tilespmem:s12+$0x40] =	vst v8;
	v6 =	vmul.f32 v15, v6  }
0x1d5: {  	v8 =	vld [tilespmem:s19+$0xFFFFFF50];
	[tilespmem:s12+$0x50] =	vst v7  }
0x1d6: {  	v7 =	vld [tilespmem:s19+$0xFFFFFF60];
	[tilespmem:s12+$0x60] =	vst v6  }
0x1d7: {  	v6 =	vld [tilespmem:s19+$0xFFFFFF70]  }
0x1d8: {  	v13 =	vld.idx.msk [tilespmem:v18+s29+$0x0], $0xffff  }
0x1d9: {  	v14 =	vld [tilespmem:s19+$0x0]  }
0x1da: {  	v15 =	vld [tilespmem:s19+$0x10]  }
0x1db: {  	v16 =	vld [tilespmem:s19+$0x20]  }
0x1dc: {  	v17 =	vld [tilespmem:s19+$0x30]  }
0x1dd: {  	v18 =	vld [tilespmem:s19+$0x40]  }
0x1de: {  	v19 =	vld [tilespmem:s19+$0x50]  }
0x1df: {  	v20 =	vld [tilespmem:s19+$0x60]  }
0x1e0: {  	s11 =	sadd.s32 $0x100, s11;
	v13 =	vld.idx.msk [tilespmem:v13+s31+$0x0], $0xffff  }
0x1e1: {  	v21 =	vld [tilespmem:s11+$0x70]  }
0x1e2: {  	v22 =	vld [tilespmem:s19+$0xFFFFFF00]  }
0x1e3: {  	v11 =	vld.idx.msk [tilespmem:v11+s29+$0x0], $0xffff  }
0x1e4: {  	v12 =	vld.idx.msk [tilespmem:v12+s29+$0x0], $0xffff  }
0x1e5: {  	v10 =	vld.idx.msk [tilespmem:v10+s29+$0x0], $0xffff  }
0x1e6: {  	v9 =	vld.idx.msk [tilespmem:v9+s29+$0x0], $0xffff;
	v13 =	vmul.f32 v21, v13  }
0x1e7: {  	s12 =	sadd.s32 $0x100, s12;
	v8 =	vld.idx.msk [tilespmem:v8+s29+$0x0], $0xffff  }
0x1e8: {  	v7 =	vld.idx.msk [tilespmem:v7+s29+$0x0], $0xffff;
	[tilespmem:s12+$0x70] =	vst v13  }
0x1e9: {  	v6 =	vld.idx.msk [tilespmem:v6+s29+$0x0], $0xffff  }
0x1ea: {  	v13 =	vld.idx.msk [tilespmem:v22+s29+$0x0], $0xffff  }
0x1eb: {  	v14 =	vld.idx.msk [tilespmem:v14+s29+$0x0], $0xffff  }
0x1ec: {  	v15 =	vld.idx.msk [tilespmem:v15+s29+$0x0], $0xffff  }
0x1ed: {  	v16 =	vld.idx.msk [tilespmem:v16+s29+$0x0], $0xffff  }
0x1ee: {  	v17 =	vld.idx.msk [tilespmem:v17+s29+$0x0], $0xffff  }
0x1ef: {  	v18 =	vld.idx.msk [tilespmem:v18+s29+$0x0], $0xffff  }
0x1f0: {  	v19 =	vld.idx.msk [tilespmem:v19+s29+$0x0], $0xffff  }
0x1f1: {  	v20 =	vld.idx.msk [tilespmem:v20+s29+$0x0], $0xffff  }
0x1f2: {  	v13 =	vld.idx.msk [tilespmem:v13+s31+$0x0], $0xffff  }
0x1f3: {  	v11 =	vld.idx.msk [tilespmem:v11+s31+$0x0], $0xffff  }
0x1f4: {  	v12 =	vld.idx.msk [tilespmem:v12+s31+$0x0], $0xffff  }
0x1f5: {  	v21 =	vld.idx.msk [tilespmem:v10+s31+$0x0], $0xffff  }
0x1f6: {  	v22 =	vld.idx.msk [tilespmem:v9+s31+$0x0], $0xffff  }
0x1f7: {  	v23 =	vld.idx.msk [tilespmem:v8+s31+$0x0], $0xffff  }
0x1f8: {  	v24 =	vld.idx.msk [tilespmem:v7+s31+$0x0], $0xffff  }
0x1f9: {  	v25 =	vld.idx.msk [tilespmem:v6+s31+$0x0], $0xffff  }
0x1fa: {  	v26 =	vld.idx.msk [tilespmem:v14+s31+$0x0], $0xffff  }
0x1fb: {  	v15 =	vld.idx.msk [tilespmem:v15+s31+$0x0], $0xffff  }
0x1fc: {  	v10 =	vld.idx.msk [tilespmem:v16+s31+$0x0], $0xffff  }
0x1fd: {  	v9 =	vld.idx.msk [tilespmem:v17+s31+$0x0], $0xffff  }
0x1fe: {  	v8 =	vld.idx.msk [tilespmem:v18+s31+$0x0], $0xffff  }
0x1ff: {  	v7 =	vld.idx.msk [tilespmem:v19+s31+$0x0], $0xffff  }
0x200: {  	v6 =	vld.idx.msk [tilespmem:v20+s31+$0x0], $0xffff  }
0x201: {  	v14 =	vld [tilespmem:s11+$0xFFFFFF80]  }
0x202: {  	v16 =	vld [tilespmem:s11+$0xFFFFFF90]  }
0x203: {  	v17 =	vld [tilespmem:s11+$0xFFFFFFA0]  }
0x204: {  	v18 =	vld [tilespmem:s11+$0xFFFFFFB0]  }
0x205: {  	v19 =	vld [tilespmem:s11+$0xFFFFFFC0]  }
0x206: {  	v13 =	vmul.f32 v14, v13;
	v14 =	vld [tilespmem:s11+$0xFFFFFFD0]  }
0x207: {  	v11 =	vmul.f32 v16, v11;
	v16 =	vld [tilespmem:s11+$0xFFFFFFE0]  }
0x208: {  	[tilespmem:s12+$0xFFFFFF80] =	vst v13;
	v12 =	vmul.f32 v17, v12;
	v13 =	vld [tilespmem:s11+$0xFFFFFFF0]  }
0x209: {  	[tilespmem:s12+$0xFFFFFF90] =	vst v11;
	v11 =	vmul.f32 v18, v21;
	v17 =	vld [tilespmem:s11+$0x0]  }
0x20a: {  	[tilespmem:s12+$0xFFFFFFA0] =	vst v12;
	v12 =	vmul.f32 v19, v22;
	v18 =	vld [tilespmem:s11+$0x10]  }
.Ltmp4:
0x20b: {  	[tilespmem:s12+$0xFFFFFFB0] =	vst v11;
	v14 =	vmul.f32 v14, v23;
	v11 =	vld [tilespmem:s11+$0x20];
	(pc) =	sbr.rel @p1 .LBB2_7-.Ltmp4, $4  }
0x20c: {  	[tilespmem:s12+$0xFFFFFFC0] =	vst v12;
	v16 =	vmul.f32 v16, v24;
	v12 =	vld [tilespmem:s11+$0x30]  }
0x20d: {  	[tilespmem:s12+$0xFFFFFFD0] =	vst v14;
	v19 =	vmul.f32 v13, v25;
	v14 =	vld [tilespmem:s11+$0x40]  }
0x20e: {  	[tilespmem:s12+$0xFFFFFFE0] =	vst v16;
	v17 =	vmul.f32 v17, v26;
	v13 =	vld [tilespmem:s11+$0x50]  }
0x20f: {  	s19 =	sadd.s32 $0x200, s19;
	[tilespmem:s12+$0xFFFFFFF0] =	vst v19;
	v16 =	vmul.f32 v18, v15;
	v15 =	vld [tilespmem:s11+$0x60]  }
0x210: {  	[tilespmem:s12+$0x0] =	vst v17;
	v10 =	vmul.f32 v11, v10  }
0x211: {  	[tilespmem:s12+$0x10] =	vst v16;
	v9 =	vmul.f32 v12, v9  }
0x212: {  	s10 =	smul.u32 $0xA00, s10;
	p1 =	seq.s32 s6, $0x12;
	[tilespmem:s12+$0x20] =	vst v10;
	v8 =	vmul.f32 v14, v8  }
.Ltmp5:
0x213: {  	[tilespmem:s12+$0x30] =	vst v9;
	v7 =	vmul.f32 v13, v7;
	(pc) =	sbr.rel @p1 .LBB2_10-.Ltmp5, $4  }
0x214: {  	s10 =	sshrl.u32 s10, $0x3;
	[tilespmem:s12+$0x40] =	vst v8;
	v6 =	vmul.f32 v15, v6  }
0x215: {  	s10 =	sadd.s32 s4, s10;
	[tilespmem:s12+$0x50] =	vst v7  }
0x216: {  	s10 =	sadd.s32 $0x2800, s10;
	[tilespmem:s12+$0x60] =	vst v6  }
0x217: {  	[hbm4b:s10+s7] =	stream.linear.scatter [tilespmem:s17], [sflag:$0x4], $0xA00, $0x38;
	[tilespmem:$0x1FA70] =	vst v63  }
0x218: {  	s9 =	sadd.s32 s14, s9  }
0x219: {  	s10 =	smul.u32 $0x280, s9  }
.Ltmp6:
0x21a: {  	_ = 	snop;
	(pc) =	sbr.rel .LBB2_4-.Ltmp6, $4  }
0x21b: {  	s9 =	smul.u32 $0x140, s9;
	s10 =	sadd.s32 s0, s10  }
0x21c: {  	[tilespmem:s22], [sflag:$0x2] =	stream.linear.gather [hbm4b:s10+s7], $0x1400, $0x38;
	[tilespmem:$0x1FA70] =	vst v63  }
0x21d: {  	s6 =	sadd.s32 $0x1, s6;
	s9 =	sadd.s32 s1, s9  }
0x21e: {  	[tilespmem:s23], [sflag:$0x2] =	stream.linear.gather [hbm4b:s9+s7], $0xA00, $0x38;
	[tilespmem:$0x1FA70] =	vst v63  }
.LBB2_10:
0x21f: {  	_ =	swait.ge [sflag:s30], $0x1400  }
0x220: {  	[sflag:s30] =	ssyncset.done $0x0  }
0x221: {  	[sflag:s30] =	ssyncadd.s32 $0xFFFFEC00  }
0x222: {  	_ =	swait.ge [sflag:s30], $0xA00  }
0x223: {  	[sflag:s30] =	ssyncset.done $0x0  }
0x224: {  	[sflag:s30] =	ssyncadd.s32 $0xFFFFF600  }
0x225: {  	_ =	swait.ge [sflag:s18], $0xA00  }
0x226: {  	[sflag:s18] =	ssyncset.done $0x0  }
0x227: {  	s9 =	simm.s32 $0x1AB70;
	[sflag:s18] =	ssyncadd.s32 $0xFFFFF600  }
0x228: {  	v6 =	vld [tilespmem:s9+$0x70]  }
0x229: {  	v7 =	vld [tilespmem:s9+$0xFFFFFF10]  }
0x22a: {  	v8 =	vld [tilespmem:s9+$0xFFFFFF20]  }
0x22b: {  	v9 =	vld [tilespmem:s9+$0xFFFFFF30]  }
0x22c: {  	v10 =	vld [tilespmem:s9+$0xFFFFFF40]  }
0x22d: {  	v11 =	vld [tilespmem:s9+$0xFFFFFF50]  }
0x22e: {  	v12 =	vld [tilespmem:s9+$0xFFFFFF60]  }
0x22f: {  	v13 =	vld [tilespmem:s9+$0xFFFFFF70]  }
0x230: {  	v14 =	vld [tilespmem:s9+$0x0]  }
0x231: {  	v15 =	vld [tilespmem:s9+$0x10]  }
0x232: {  	v16 =	vld [tilespmem:s9+$0x20]  }
0x233: {  	v17 =	vld [tilespmem:s9+$0x30]  }
0x234: {  	v18 =	vld [tilespmem:s9+$0x40]  }
0x235: {  	v19 =	vld [tilespmem:s9+$0x50]  }
0x236: {  	s6 =	simm.s32 $0x1D2F0;
	v20 =	vld [tilespmem:s9+$0x60]  }
0x237: {  	v22 =	vld [tilespmem:s6+$0x70]  }
0x238: {  	v61 =	vld [tilespmem:s6+$0xFFFFFFC0]  }
0x239: {  	v62 =	vld [tilespmem:s6+$0xFFFFFFD0]  }
0x23a: {  	v63 =	vld [tilespmem:s6+$0x10]  }
0x23b: {  	v6 =	vld.idx.msk [tilespmem:v6+s29+$0x0], $0xffff  }
0x23c: {  	v7 =	vld.idx.msk [tilespmem:v7+s29+$0x0], $0xffff  }
0x23d: {  	v8 =	vld.idx.msk [tilespmem:v8+s29+$0x0], $0xffff  }
0x23e: {  	v9 =	vld.idx.msk [tilespmem:v9+s29+$0x0], $0xffff  }
0x23f: {  	v10 =	vld.idx.msk [tilespmem:v10+s29+$0x0], $0xffff  }
0x240: {  	v11 =	vld.idx.msk [tilespmem:v11+s29+$0x0], $0xffff  }
0x241: {  	v12 =	vld.idx.msk [tilespmem:v12+s29+$0x0], $0xffff  }
0x242: {  	v13 =	vld.idx.msk [tilespmem:v13+s29+$0x0], $0xffff  }
0x243: {  	v14 =	vld.idx.msk [tilespmem:v14+s29+$0x0], $0xffff  }
0x244: {  	v15 =	vld.idx.msk [tilespmem:v15+s29+$0x0], $0xffff  }
0x245: {  	v16 =	vld.idx.msk [tilespmem:v16+s29+$0x0], $0xffff  }
0x246: {  	v17 =	vld.idx.msk [tilespmem:v17+s29+$0x0], $0xffff  }
0x247: {  	v18 =	vld.idx.msk [tilespmem:v18+s29+$0x0], $0xffff  }
0x248: {  	v21 =	vld.idx.msk [tilespmem:v6+s31+$0x0], $0xffff  }
0x249: {  	v6 =	vld [tilespmem:s9+$0xFFFFFF00]  }
0x24a: {  	v19 =	vld.idx.msk [tilespmem:v19+s29+$0x0], $0xffff  }
0x24b: {  	v20 =	vld.idx.msk [tilespmem:v20+s29+$0x0], $0xffff  }
0x24c: {  	v24 =	vld.idx.msk [tilespmem:v7+s31+$0x0], $0xffff  }
0x24d: {  	v25 =	vld.idx.msk [tilespmem:v8+s31+$0x0], $0xffff  }
0x24e: {  	v26 =	vld.idx.msk [tilespmem:v9+s31+$0x0], $0xffff  }
0x24f: {  	v27 =	vld.idx.msk [tilespmem:v10+s31+$0x0], $0xffff  }
0x250: {  	v11 =	vld.idx.msk [tilespmem:v11+s31+$0x0], $0xffff  }
0x251: {  	v6 =	vld.idx.msk [tilespmem:v6+s29+$0x0], $0xffff  }
0x252: {  	v12 =	vld.idx.msk [tilespmem:v12+s31+$0x0], $0xffff  }
0x253: {  	v28 =	vld.idx.msk [tilespmem:v14+s31+$0x0], $0xffff  }
0x254: {  	v10 =	vld.idx.msk [tilespmem:v16+s31+$0x0], $0xffff  }
0x255: {  	v9 =	vld.idx.msk [tilespmem:v17+s31+$0x0], $0xffff  }
0x256: {  	v8 =	vld.idx.msk [tilespmem:v18+s31+$0x0], $0xffff  }
0x257: {  	v14 =	vld [tilespmem:s6+$0xFFFFFF80]  }
0x258: {  	v16 =	vld [tilespmem:s6+$0xFFFFFF90]  }
0x259: {  	v23 =	vld.idx.msk [tilespmem:v6+s31+$0x0], $0xffff  }
0x25a: {  	v18 =	vld [tilespmem:s6+$0xFFFFFFB0]  }
0x25b: {  	v17 =	vld [tilespmem:s6+$0xFFFFFFA0]  }
0x25c: {  	v7 =	vld.idx.msk [tilespmem:v19+s31+$0x0], $0xffff;
	v19 =	vmul.f32 v22, v21  }
0x25d: {  	v13 =	vld.idx.msk [tilespmem:v13+s31+$0x0], $0xffff;
	s9 =	simm.s32 $0x1E6F0;
	v16 =	vmul.f32 v16, v24  }
0x25e: {  	v15 =	vld.idx.msk [tilespmem:v15+s31+$0x0], $0xffff;
	[tilespmem:s9+$0x70] =	vst v19;
	v14 =	vmul.f32 v14, v23  }
0x25f: {  	v19 =	vld [tilespmem:s6+$0xFFFFFFE0];
	[tilespmem:s9+$0xFFFFFF90] =	vst v16;
	v16 =	vmul.f32 v18, v26  }
0x260: {  	[tilespmem:s9+$0xFFFFFF80] =	vst v14;
	v14 =	vmul.f32 v17, v25;
	v17 =	vld [tilespmem:s6+$0xFFFFFFF0]  }
0x261: {  	v18 =	vld [tilespmem:s6+$0x0];
	[tilespmem:s9+$0xFFFFFFB0] =	vst v16  }
0x262: {  	v16 =	vmul.f32 v62, v11;
	v11 =	vld [tilespmem:s6+$0x20];
	[tilespmem:s9+$0xFFFFFFA0] =	vst v14;
	v14 =	vmul.f32 v61, v27  }
0x263: {  	v6 =	vld.idx.msk [tilespmem:v20+s31+$0x0], $0xffff  }
0x264: {  	[tilespmem:s9+$0xFFFFFFC0] =	vst v14;
	v14 =	vmul.f32 v19, v12;
	v12 =	vld [tilespmem:s6+$0x30]  }
0x265: {  	[tilespmem:s9+$0xFFFFFFD0] =	vst v16;
	v16 =	vmul.f32 v17, v13;
	v13 =	vld [tilespmem:s6+$0x40]  }
0x266: {  	v17 =	vmul.f32 v18, v28;
	[tilespmem:s9+$0xFFFFFFE0] =	vst v14;
	v14 =	vld [tilespmem:s6+$0x50]  }
0x267: {  	s10 =	simm.s32 $0x0;
	s11 =	simm.s32 $0x1AD70;
	s12 =	smov.u32 s2;
	[tilespmem:s9+$0xFFFFFFF0] =	vst v16;
	v16 =	vmul.f32 v63, v15;
	v15 =	vld [tilespmem:s6+$0x60]  }
.LBB2_11:
0x268: {  	v18 =	vld [tilespmem:s11+$0x70];
	s10 =	sadd.s32 $0x100, s10;
	[tilespmem:s9+$0x0] =	vst v17;
	v10 =	vmul.f32 v11, v10  }
0x269: {  	v11 =	vld [tilespmem:s11+$0xFFFFFF10];
	p1 =	slt.u32 s10, $0x900;
	[tilespmem:s9+$0x10] =	vst v16;
	v9 =	vmul.f32 v12, v9  }
0x26a: {  	v12 =	vld [tilespmem:s11+$0xFFFFFF20];
	[tilespmem:s9+$0x20] =	vst v10;
	v8 =	vmul.f32 v13, v8  }
0x26b: {  	v10 =	vld [tilespmem:s11+$0xFFFFFF30];
	[tilespmem:s9+$0x30] =	vst v9;
	v7 =	vmul.f32 v14, v7  }
0x26c: {  	v9 =	vld [tilespmem:s11+$0xFFFFFF40];
	[tilespmem:s9+$0x40] =	vst v8;
	v6 =	vmul.f32 v15, v6  }
0x26d: {  	v8 =	vld [tilespmem:s11+$0xFFFFFF50];
	[tilespmem:s9+$0x50] =	vst v7  }
0x26e: {  	v7 =	vld [tilespmem:s11+$0xFFFFFF60];
	[tilespmem:s9+$0x60] =	vst v6  }
0x26f: {  	v6 =	vld [tilespmem:s11+$0xFFFFFF70]  }
0x270: {  	v13 =	vld.idx.msk [tilespmem:v18+s29+$0x0], $0xffff  }
0x271: {  	v14 =	vld [tilespmem:s11+$0x0]  }
0x272: {  	v15 =	vld [tilespmem:s11+$0x10]  }
0x273: {  	v16 =	vld [tilespmem:s11+$0x20]  }
0x274: {  	v17 =	vld [tilespmem:s11+$0x30]  }
0x275: {  	v18 =	vld [tilespmem:s11+$0x40]  }
0x276: {  	v19 =	vld [tilespmem:s11+$0x50]  }
0x277: {  	v20 =	vld [tilespmem:s11+$0x60]  }
0x278: {  	s6 =	sadd.s32 $0x100, s6;
	v13 =	vld.idx.msk [tilespmem:v13+s31+$0x0], $0xffff  }
0x279: {  	v21 =	vld [tilespmem:s6+$0x70]  }
0x27a: {  	v22 =	vld [tilespmem:s11+$0xFFFFFF00]  }
0x27b: {  	v11 =	vld.idx.msk [tilespmem:v11+s29+$0x0], $0xffff  }
0x27c: {  	v12 =	vld.idx.msk [tilespmem:v12+s29+$0x0], $0xffff  }
0x27d: {  	v10 =	vld.idx.msk [tilespmem:v10+s29+$0x0], $0xffff  }
0x27e: {  	v9 =	vld.idx.msk [tilespmem:v9+s29+$0x0], $0xffff;
	v13 =	vmul.f32 v21, v13  }
0x27f: {  	s9 =	sadd.s32 $0x100, s9;
	v8 =	vld.idx.msk [tilespmem:v8+s29+$0x0], $0xffff  }
0x280: {  	v7 =	vld.idx.msk [tilespmem:v7+s29+$0x0], $0xffff;
	[tilespmem:s9+$0x70] =	vst v13  }
0x281: {  	v6 =	vld.idx.msk [tilespmem:v6+s29+$0x0], $0xffff  }
0x282: {  	v13 =	vld.idx.msk [tilespmem:v22+s29+$0x0], $0xffff  }
0x283: {  	v14 =	vld.idx.msk [tilespmem:v14+s29+$0x0], $0xffff  }
0x284: {  	v15 =	vld.idx.msk [tilespmem:v15+s29+$0x0], $0xffff  }
0x285: {  	v16 =	vld.idx.msk [tilespmem:v16+s29+$0x0], $0xffff  }
0x286: {  	v17 =	vld.idx.msk [tilespmem:v17+s29+$0x0], $0xffff  }
0x287: {  	v18 =	vld.idx.msk [tilespmem:v18+s29+$0x0], $0xffff  }
0x288: {  	v19 =	vld.idx.msk [tilespmem:v19+s29+$0x0], $0xffff  }
0x289: {  	v20 =	vld.idx.msk [tilespmem:v20+s29+$0x0], $0xffff  }
0x28a: {  	v13 =	vld.idx.msk [tilespmem:v13+s31+$0x0], $0xffff  }
0x28b: {  	v11 =	vld.idx.msk [tilespmem:v11+s31+$0x0], $0xffff  }
0x28c: {  	v12 =	vld.idx.msk [tilespmem:v12+s31+$0x0], $0xffff  }
0x28d: {  	v21 =	vld.idx.msk [tilespmem:v10+s31+$0x0], $0xffff  }
0x28e: {  	v22 =	vld.idx.msk [tilespmem:v9+s31+$0x0], $0xffff  }
0x28f: {  	v23 =	vld.idx.msk [tilespmem:v8+s31+$0x0], $0xffff  }
0x290: {  	v24 =	vld.idx.msk [tilespmem:v7+s31+$0x0], $0xffff  }
0x291: {  	v25 =	vld.idx.msk [tilespmem:v6+s31+$0x0], $0xffff  }
0x292: {  	v14 =	vld.idx.msk [tilespmem:v14+s31+$0x0], $0xffff  }
0x293: {  	v15 =	vld.idx.msk [tilespmem:v15+s31+$0x0], $0xffff  }
0x294: {  	v10 =	vld.idx.msk [tilespmem:v16+s31+$0x0], $0xffff  }
0x295: {  	v9 =	vld.idx.msk [tilespmem:v17+s31+$0x0], $0xffff  }
0x296: {  	v8 =	vld.idx.msk [tilespmem:v18+s31+$0x0], $0xffff  }
0x297: {  	v7 =	vld.idx.msk [tilespmem:v19+s31+$0x0], $0xffff  }
0x298: {  	v6 =	vld.idx.msk [tilespmem:v20+s31+$0x0], $0xffff  }
0x299: {  	v16 =	vld [tilespmem:s6+$0xFFFFFF80]  }
0x29a: {  	v17 =	vld [tilespmem:s6+$0xFFFFFF90]  }
0x29b: {  	v18 =	vld [tilespmem:s6+$0xFFFFFFA0]  }
0x29c: {  	v19 =	vld [tilespmem:s6+$0xFFFFFFB0]  }
0x29d: {  	v20 =	vld [tilespmem:s6+$0xFFFFFFC0]  }
0x29e: {  	v13 =	vmul.f32 v16, v13;
	v16 =	vld [tilespmem:s6+$0xFFFFFFD0]  }
0x29f: {  	v11 =	vmul.f32 v17, v11;
	v17 =	vld [tilespmem:s6+$0xFFFFFFE0]  }
0x2a0: {  	[tilespmem:s9+$0xFFFFFF80] =	vst v13;
	v12 =	vmul.f32 v18, v12;
	v13 =	vld [tilespmem:s6+$0xFFFFFFF0]  }
0x2a1: {  	[tilespmem:s9+$0xFFFFFF90] =	vst v11;
	v11 =	vmul.f32 v19, v21;
	v18 =	vld [tilespmem:s6+$0x0]  }
0x2a2: {  	[tilespmem:s9+$0xFFFFFFA0] =	vst v12;
	v12 =	vmul.f32 v20, v22;
	v19 =	vld [tilespmem:s6+$0x10]  }
.Ltmp7:
0x2a3: {  	[tilespmem:s9+$0xFFFFFFB0] =	vst v11;
	v16 =	vmul.f32 v16, v23;
	v11 =	vld [tilespmem:s6+$0x20];
	(pc) =	sbr.rel @p1 .LBB2_11-.Ltmp7, $4  }
0x2a4: {  	[tilespmem:s9+$0xFFFFFFC0] =	vst v12;
	v17 =	vmul.f32 v17, v24;
	v12 =	vld [tilespmem:s6+$0x30]  }
0x2a5: {  	[tilespmem:s9+$0xFFFFFFD0] =	vst v16;
	v16 =	vmul.f32 v13, v25;
	v13 =	vld [tilespmem:s6+$0x40]  }
0x2a6: {  	[tilespmem:s9+$0xFFFFFFE0] =	vst v17;
	v17 =	vmul.f32 v18, v14;
	v14 =	vld [tilespmem:s6+$0x50]  }
0x2a7: {  	s11 =	sadd.s32 $0x200, s11;
	[tilespmem:s9+$0xFFFFFFF0] =	vst v16;
	v16 =	vmul.f32 v19, v15;
	v15 =	vld [tilespmem:s6+$0x60]  }
0x2a8: {  	[tilespmem:s9+$0x0] =	vst v17;
	v10 =	vmul.f32 v11, v10  }
0x2a9: {  	[tilespmem:s9+$0x10] =	vst v16;
	v9 =	vmul.f32 v12, v9  }
0x2aa: {  	[tilespmem:s9+$0x20] =	vst v10;
	v8 =	vmul.f32 v13, v8  }
0x2ab: {  	[tilespmem:s9+$0x30] =	vst v9;
	v7 =	vmul.f32 v14, v7  }
0x2ac: {  	[tilespmem:s9+$0x40] =	vst v8;
	v6 =	vmul.f32 v15, v6  }
0x2ad: {  	[tilespmem:s9+$0x50] =	vst v7  }
0x2ae: {  	[tilespmem:s9+$0x60] =	vst v6  }
.Ltmp8:
0x2af: {  	s19 =	simm.s32 $0x4;
	s2 =	rddreg [dreg:$0xb];
	(pc) =	sbr.rel @p0 .LBB2_16-.Ltmp8, $4  }
0x2b0: {  	[hbm4b:s2+s7] =	stream.linear.scatter [tilespmem:s5], [sflag:$0x3], $0xA00, $0x38;
	[tilespmem:$0x1FA70] =	vst v63  }
0x2b1: {  	_ =	swait.ge [sflag:s19], $0xA00  }
0x2b2: {  	[sflag:s19] =	ssyncset.done $0x0  }
0x2b3: {  	[sflag:s19] =	ssyncadd.s32 $0xFFFFF600  }
0x2b4: {  	s2 =	rddreg [dreg:$0xc]  }
0x2b5: {  	[tilespmem:s22], [sflag:$0x6] =	stream.linear.gather [hbm4b:s2+s7], $0x1400, $0x38;
	[tilespmem:$0x1FA70] =	vst v63  }
0x2b6: {  	_ =	swait.ge [sflag:s24], $0x1400  }
0x2b7: {  	[sflag:s24] =	ssyncset.done $0x0  }
0x2b8: {  	s19 =	rddreg [dreg:$0xd];
	[sflag:s24] =	ssyncadd.s32 $0xFFFFEC00  }
0x2b9: {  	[tilespmem:s23], [sflag:$0x6] =	stream.linear.gather [hbm4b:s19+s7], $0xA00, $0x38;
	[tilespmem:$0x1FA70] =	vst v63  }
0x2ba: {  	_ =	swait.ge [sflag:s24], $0xA00  }
0x2bb: {  	[sflag:s24] =	ssyncset.done $0x0  }
0x2bc: {  	s9 =	simm.s32 $0x1BF70;
	[sflag:s24] =	ssyncadd.s32 $0xFFFFF600  }
0x2bd: {  	v6 =	vld [tilespmem:s9+$0x70]  }
0x2be: {  	v7 =	vld [tilespmem:s9+$0xFFFFFF10]  }
0x2bf: {  	v8 =	vld [tilespmem:s9+$0xFFFFFF20]  }
0x2c0: {  	v9 =	vld [tilespmem:s9+$0xFFFFFF30]  }
0x2c1: {  	v10 =	vld [tilespmem:s9+$0xFFFFFF40]  }
0x2c2: {  	v11 =	vld [tilespmem:s9+$0xFFFFFF50]  }
0x2c3: {  	v12 =	vld [tilespmem:s9+$0xFFFFFF60]  }
0x2c4: {  	v13 =	vld [tilespmem:s9+$0xFFFFFF70]  }
0x2c5: {  	v14 =	vld [tilespmem:s9+$0x0]  }
0x2c6: {  	v15 =	vld [tilespmem:s9+$0x10]  }
0x2c7: {  	v16 =	vld [tilespmem:s9+$0x20]  }
0x2c8: {  	v17 =	vld [tilespmem:s9+$0x30]  }
0x2c9: {  	v18 =	vld [tilespmem:s9+$0x40]  }
0x2ca: {  	v19 =	vld [tilespmem:s9+$0x50]  }
0x2cb: {  	s6 =	simm.s32 $0x1DCF0;
	v20 =	vld [tilespmem:s9+$0x60]  }
0x2cc: {  	v22 =	vld [tilespmem:s6+$0x70]  }
0x2cd: {  	v61 =	vld [tilespmem:s6+$0xFFFFFFC0]  }
0x2ce: {  	v62 =	vld [tilespmem:s6+$0xFFFFFFD0]  }
0x2cf: {  	v63 =	vld [tilespmem:s6+$0x10]  }
0x2d0: {  	v6 =	vld.idx.msk [tilespmem:v6+s29+$0x0], $0xffff  }
0x2d1: {  	v7 =	vld.idx.msk [tilespmem:v7+s29+$0x0], $0xffff  }
0x2d2: {  	v8 =	vld.idx.msk [tilespmem:v8+s29+$0x0], $0xffff  }
0x2d3: {  	v9 =	vld.idx.msk [tilespmem:v9+s29+$0x0], $0xffff  }
0x2d4: {  	v10 =	vld.idx.msk [tilespmem:v10+s29+$0x0], $0xffff  }
0x2d5: {  	v11 =	vld.idx.msk [tilespmem:v11+s29+$0x0], $0xffff  }
0x2d6: {  	v12 =	vld.idx.msk [tilespmem:v12+s29+$0x0], $0xffff  }
0x2d7: {  	v13 =	vld.idx.msk [tilespmem:v13+s29+$0x0], $0xffff  }
0x2d8: {  	v14 =	vld.idx.msk [tilespmem:v14+s29+$0x0], $0xffff  }
0x2d9: {  	v15 =	vld.idx.msk [tilespmem:v15+s29+$0x0], $0xffff  }
0x2da: {  	v16 =	vld.idx.msk [tilespmem:v16+s29+$0x0], $0xffff  }
0x2db: {  	v17 =	vld.idx.msk [tilespmem:v17+s29+$0x0], $0xffff  }
0x2dc: {  	v18 =	vld.idx.msk [tilespmem:v18+s29+$0x0], $0xffff  }
0x2dd: {  	v21 =	vld.idx.msk [tilespmem:v6+s31+$0x0], $0xffff  }
0x2de: {  	v6 =	vld [tilespmem:s9+$0xFFFFFF00]  }
0x2df: {  	v19 =	vld.idx.msk [tilespmem:v19+s29+$0x0], $0xffff  }
0x2e0: {  	v20 =	vld.idx.msk [tilespmem:v20+s29+$0x0], $0xffff  }
0x2e1: {  	v24 =	vld.idx.msk [tilespmem:v7+s31+$0x0], $0xffff  }
0x2e2: {  	v25 =	vld.idx.msk [tilespmem:v8+s31+$0x0], $0xffff  }
0x2e3: {  	v26 =	vld.idx.msk [tilespmem:v9+s31+$0x0], $0xffff  }
0x2e4: {  	v27 =	vld.idx.msk [tilespmem:v10+s31+$0x0], $0xffff  }
0x2e5: {  	v11 =	vld.idx.msk [tilespmem:v11+s31+$0x0], $0xffff  }
0x2e6: {  	v6 =	vld.idx.msk [tilespmem:v6+s29+$0x0], $0xffff  }
0x2e7: {  	v12 =	vld.idx.msk [tilespmem:v12+s31+$0x0], $0xffff  }
0x2e8: {  	v28 =	vld.idx.msk [tilespmem:v14+s31+$0x0], $0xffff  }
0x2e9: {  	v10 =	vld.idx.msk [tilespmem:v16+s31+$0x0], $0xffff  }
0x2ea: {  	v9 =	vld.idx.msk [tilespmem:v17+s31+$0x0], $0xffff  }
0x2eb: {  	v8 =	vld.idx.msk [tilespmem:v18+s31+$0x0], $0xffff  }
0x2ec: {  	v14 =	vld [tilespmem:s6+$0xFFFFFF80]  }
0x2ed: {  	v16 =	vld [tilespmem:s6+$0xFFFFFF90]  }
0x2ee: {  	v23 =	vld.idx.msk [tilespmem:v6+s31+$0x0], $0xffff  }
0x2ef: {  	v18 =	vld [tilespmem:s6+$0xFFFFFFB0]  }
0x2f0: {  	v17 =	vld [tilespmem:s6+$0xFFFFFFA0]  }
0x2f1: {  	v7 =	vld.idx.msk [tilespmem:v19+s31+$0x0], $0xffff;
	v19 =	vmul.f32 v22, v21  }
0x2f2: {  	v13 =	vld.idx.msk [tilespmem:v13+s31+$0x0], $0xffff;
	s9 =	simm.s32 $0x1F0F0;
	v16 =	vmul.f32 v16, v24  }
0x2f3: {  	v15 =	vld.idx.msk [tilespmem:v15+s31+$0x0], $0xffff;
	[tilespmem:s9+$0x70] =	vst v19;
	v14 =	vmul.f32 v14, v23  }
0x2f4: {  	v19 =	vld [tilespmem:s6+$0xFFFFFFE0];
	[tilespmem:s9+$0xFFFFFF90] =	vst v16;
	v16 =	vmul.f32 v18, v26  }
0x2f5: {  	[tilespmem:s9+$0xFFFFFF80] =	vst v14;
	v14 =	vmul.f32 v17, v25;
	v17 =	vld [tilespmem:s6+$0xFFFFFFF0]  }
0x2f6: {  	v18 =	vld [tilespmem:s6+$0x0];
	[tilespmem:s9+$0xFFFFFFB0] =	vst v16  }
0x2f7: {  	v16 =	vmul.f32 v62, v11;
	v11 =	vld [tilespmem:s6+$0x20];
	[tilespmem:s9+$0xFFFFFFA0] =	vst v14;
	v14 =	vmul.f32 v61, v27  }
0x2f8: {  	v6 =	vld.idx.msk [tilespmem:v20+s31+$0x0], $0xffff  }
0x2f9: {  	[tilespmem:s9+$0xFFFFFFC0] =	vst v14;
	v14 =	vmul.f32 v19, v12;
	v12 =	vld [tilespmem:s6+$0x30]  }
0x2fa: {  	[tilespmem:s9+$0xFFFFFFD0] =	vst v16;
	v16 =	vmul.f32 v17, v13;
	v13 =	vld [tilespmem:s6+$0x40]  }
0x2fb: {  	v17 =	vmul.f32 v18, v28;
	[tilespmem:s9+$0xFFFFFFE0] =	vst v14;
	v14 =	vld [tilespmem:s6+$0x50]  }
0x2fc: {  	s10 =	simm.s32 $0x0;
	s11 =	simm.s32 $0x1C170;
	[tilespmem:s9+$0xFFFFFFF0] =	vst v16;
	v16 =	vmul.f32 v63, v15;
	v15 =	vld [tilespmem:s6+$0x60]  }
.LBB2_14:
0x2fd: {  	v18 =	vld [tilespmem:s11+$0x70];
	s10 =	sadd.s32 $0x100, s10;
	[tilespmem:s9+$0x0] =	vst v17;
	v10 =	vmul.f32 v11, v10  }
0x2fe: {  	v11 =	vld [tilespmem:s11+$0xFFFFFF10];
	p1 =	slt.u32 s10, $0x900;
	[tilespmem:s9+$0x10] =	vst v16;
	v9 =	vmul.f32 v12, v9  }
0x2ff: {  	v12 =	vld [tilespmem:s11+$0xFFFFFF20];
	[tilespmem:s9+$0x20] =	vst v10;
	v8 =	vmul.f32 v13, v8  }
0x300: {  	v10 =	vld [tilespmem:s11+$0xFFFFFF30];
	[tilespmem:s9+$0x30] =	vst v9;
	v7 =	vmul.f32 v14, v7  }
0x301: {  	v9 =	vld [tilespmem:s11+$0xFFFFFF40];
	[tilespmem:s9+$0x40] =	vst v8;
	v6 =	vmul.f32 v15, v6  }
0x302: {  	v8 =	vld [tilespmem:s11+$0xFFFFFF50];
	[tilespmem:s9+$0x50] =	vst v7  }
0x303: {  	v7 =	vld [tilespmem:s11+$0xFFFFFF60];
	[tilespmem:s9+$0x60] =	vst v6  }
0x304: {  	v6 =	vld [tilespmem:s11+$0xFFFFFF70]  }
0x305: {  	v13 =	vld.idx.msk [tilespmem:v18+s29+$0x0], $0xffff  }
0x306: {  	v14 =	vld [tilespmem:s11+$0x0]  }
0x307: {  	v15 =	vld [tilespmem:s11+$0x10]  }
0x308: {  	v16 =	vld [tilespmem:s11+$0x20]  }
0x309: {  	v17 =	vld [tilespmem:s11+$0x30]  }
0x30a: {  	v18 =	vld [tilespmem:s11+$0x40]  }
0x30b: {  	v19 =	vld [tilespmem:s11+$0x50]  }
0x30c: {  	v20 =	vld [tilespmem:s11+$0x60]  }
0x30d: {  	s6 =	sadd.s32 $0x100, s6;
	v13 =	vld.idx.msk [tilespmem:v13+s31+$0x0], $0xffff  }
0x30e: {  	v21 =	vld [tilespmem:s6+$0x70]  }
0x30f: {  	v22 =	vld [tilespmem:s11+$0xFFFFFF00]  }
0x310: {  	v11 =	vld.idx.msk [tilespmem:v11+s29+$0x0], $0xffff  }
0x311: {  	v12 =	vld.idx.msk [tilespmem:v12+s29+$0x0], $0xffff  }
0x312: {  	v10 =	vld.idx.msk [tilespmem:v10+s29+$0x0], $0xffff  }
0x313: {  	v9 =	vld.idx.msk [tilespmem:v9+s29+$0x0], $0xffff;
	v13 =	vmul.f32 v21, v13  }
0x314: {  	s9 =	sadd.s32 $0x100, s9;
	v8 =	vld.idx.msk [tilespmem:v8+s29+$0x0], $0xffff  }
0x315: {  	v7 =	vld.idx.msk [tilespmem:v7+s29+$0x0], $0xffff;
	[tilespmem:s9+$0x70] =	vst v13  }
0x316: {  	v6 =	vld.idx.msk [tilespmem:v6+s29+$0x0], $0xffff  }
0x317: {  	v13 =	vld.idx.msk [tilespmem:v22+s29+$0x0], $0xffff  }
0x318: {  	v14 =	vld.idx.msk [tilespmem:v14+s29+$0x0], $0xffff  }
0x319: {  	v15 =	vld.idx.msk [tilespmem:v15+s29+$0x0], $0xffff  }
0x31a: {  	v16 =	vld.idx.msk [tilespmem:v16+s29+$0x0], $0xffff  }
0x31b: {  	v17 =	vld.idx.msk [tilespmem:v17+s29+$0x0], $0xffff  }
0x31c: {  	v18 =	vld.idx.msk [tilespmem:v18+s29+$0x0], $0xffff  }
0x31d: {  	v19 =	vld.idx.msk [tilespmem:v19+s29+$0x0], $0xffff  }
0x31e: {  	v20 =	vld.idx.msk [tilespmem:v20+s29+$0x0], $0xffff  }
0x31f: {  	v13 =	vld.idx.msk [tilespmem:v13+s31+$0x0], $0xffff  }
0x320: {  	v11 =	vld.idx.msk [tilespmem:v11+s31+$0x0], $0xffff  }
0x321: {  	v12 =	vld.idx.msk [tilespmem:v12+s31+$0x0], $0xffff  }
0x322: {  	v21 =	vld.idx.msk [tilespmem:v10+s31+$0x0], $0xffff  }
0x323: {  	v22 =	vld.idx.msk [tilespmem:v9+s31+$0x0], $0xffff  }
0x324: {  	v23 =	vld.idx.msk [tilespmem:v8+s31+$0x0], $0xffff  }
0x325: {  	v24 =	vld.idx.msk [tilespmem:v7+s31+$0x0], $0xffff  }
0x326: {  	v25 =	vld.idx.msk [tilespmem:v6+s31+$0x0], $0xffff  }
0x327: {  	v14 =	vld.idx.msk [tilespmem:v14+s31+$0x0], $0xffff  }
0x328: {  	v15 =	vld.idx.msk [tilespmem:v15+s31+$0x0], $0xffff  }
0x329: {  	v10 =	vld.idx.msk [tilespmem:v16+s31+$0x0], $0xffff  }
0x32a: {  	v9 =	vld.idx.msk [tilespmem:v17+s31+$0x0], $0xffff  }
0x32b: {  	v8 =	vld.idx.msk [tilespmem:v18+s31+$0x0], $0xffff  }
0x32c: {  	v7 =	vld.idx.msk [tilespmem:v19+s31+$0x0], $0xffff  }
0x32d: {  	v6 =	vld.idx.msk [tilespmem:v20+s31+$0x0], $0xffff  }
0x32e: {  	v16 =	vld [tilespmem:s6+$0xFFFFFF80]  }
0x32f: {  	v17 =	vld [tilespmem:s6+$0xFFFFFF90]  }
0x330: {  	v18 =	vld [tilespmem:s6+$0xFFFFFFA0]  }
0x331: {  	v19 =	vld [tilespmem:s6+$0xFFFFFFB0]  }
0x332: {  	v20 =	vld [tilespmem:s6+$0xFFFFFFC0]  }
0x333: {  	v13 =	vmul.f32 v16, v13;
	v16 =	vld [tilespmem:s6+$0xFFFFFFD0]  }
0x334: {  	v11 =	vmul.f32 v17, v11;
	v17 =	vld [tilespmem:s6+$0xFFFFFFE0]  }
0x335: {  	[tilespmem:s9+$0xFFFFFF80] =	vst v13;
	v12 =	vmul.f32 v18, v12;
	v13 =	vld [tilespmem:s6+$0xFFFFFFF0]  }
0x336: {  	[tilespmem:s9+$0xFFFFFF90] =	vst v11;
	v11 =	vmul.f32 v19, v21;
	v18 =	vld [tilespmem:s6+$0x0]  }
0x337: {  	[tilespmem:s9+$0xFFFFFFA0] =	vst v12;
	v12 =	vmul.f32 v20, v22;
	v19 =	vld [tilespmem:s6+$0x10]  }
.Ltmp9:
0x338: {  	[tilespmem:s9+$0xFFFFFFB0] =	vst v11;
	v16 =	vmul.f32 v16, v23;
	v11 =	vld [tilespmem:s6+$0x20];
	(pc) =	sbr.rel @p1 .LBB2_14-.Ltmp9, $4  }
0x339: {  	[tilespmem:s9+$0xFFFFFFC0] =	vst v12;
	v17 =	vmul.f32 v17, v24;
	v12 =	vld [tilespmem:s6+$0x30]  }
0x33a: {  	[tilespmem:s9+$0xFFFFFFD0] =	vst v16;
	v16 =	vmul.f32 v13, v25;
	v13 =	vld [tilespmem:s6+$0x40]  }
0x33b: {  	[tilespmem:s9+$0xFFFFFFE0] =	vst v17;
	v17 =	vmul.f32 v18, v14;
	v14 =	vld [tilespmem:s6+$0x50]  }
0x33c: {  	s11 =	sadd.s32 $0x200, s11;
	[tilespmem:s9+$0xFFFFFFF0] =	vst v16;
	v16 =	vmul.f32 v19, v15;
	v15 =	vld [tilespmem:s6+$0x60]  }
0x33d: {  	[tilespmem:s9+$0x0] =	vst v17;
	v10 =	vmul.f32 v11, v10  }
0x33e: {  	[tilespmem:s9+$0x10] =	vst v16;
	v9 =	vmul.f32 v12, v9  }
0x33f: {  	[tilespmem:s9+$0x20] =	vst v10;
	v8 =	vmul.f32 v13, v8  }
0x340: {  	[tilespmem:s9+$0x30] =	vst v9;
	v7 =	vmul.f32 v14, v7  }
0x341: {  	[tilespmem:s9+$0x40] =	vst v8;
	v6 =	vmul.f32 v15, v6  }
0x342: {  	[tilespmem:s9+$0x50] =	vst v7  }
0x343: {  	[tilespmem:s9+$0x60] =	vst v6  }
.Ltmp10:
0x344: {  	s2 =	rddreg [dreg:$0xe];
	(pc) =	sbr.rel .LBB2_16-.Ltmp10, $4  }
0x345: {  	[hbm4b:s2+s7] =	stream.linear.scatter [tilespmem:s17], [sflag:$0x6], $0xA00, $0x38;
	[tilespmem:$0x1FA70] =	vst v63  }
0x346: {  	_ =	swait.ge [sflag:s24], $0xA00  }
0x347: {  	[sflag:s24] =	ssyncset.done $0x0  }
0x348: {  	[sflag:s24] =	ssyncadd.s32 $0xFFFFF600  }
.LBB2_17:
0x349: {  	_ =	sfence.sel $0x180000  }
0x34a: {  	[bflag:$0x0] =	sbarrier.arrive $0xFFFF  }
0x34b: {  	_ =	strace $0x90000047  }
0x34c: {  	[bflag:$0x2] =	sbarrier.arrive $0xFFFF  }
0x34d: {  	s0 =	rddreg [dreg:$0x6]  }
0x34e: {  	s0 =	sadd.s32 @!p0 $0x100000, s0  }
0x34f: {  	[sflag:s0] =	ssyncadd.tile.s32 @!p0 $0x1;
	_ =	shalt  }
.Lfunc_end2:
_tile_overlayer_lowered:
.L_overlay_start_2:
0x350: {  	(tag) =	ssettag $0x2  }
0x351: {  	s0 =	rddreg [dreg:$0x0];
	s2 =	stileid.u32  }
0x352: {  	s1 =	rddreg [dreg:$0x1];
	p0 =	sne.s32 s2, $0x0  }
0x353: {  	s3 =	rddreg [dreg:$0x2];
	[bflag:$0x3] =	sbarrier.arrive $0xFFFF;
	s2 =	simm.s32 @!p0 $0x1C06  }
0x354: {  	[timem:s3], [sflag:s2] =	dma.local @!p0 [hbm:s0], s1  }
0x355: {  	s0 =	simm.s32 @!p0 $0x6  }
0x356: {  	_ =	swait.ge @!p0 [sflag:s0], s1  }
0x357: {  	s1 =	ssub.s32 @!p0 $0x0, s1;
	[sflag:s0] =	ssyncset.done @!p0 $0x0  }
0x358: {  	[sflag:s0] =	ssyncadd.s32 @!p0 s1  }
0x359: {  	[bflag:$0x3] =	sbarrier.arrive $0xFFFF  }
0x35a: {  	_ =	shalt  }

</sc_bundles>
